<compile_context>
chip_gen: v7x
topology: tpu7x:2x2x1
jax: 0.10.2.dev20260603
libtpu: 0.0.44.dev20260713+nightly
codegen_flags: <defaults>
</compile_context>

<pallas_src>
import functools

import jax
import jax.numpy as jnp
from jax import lax
from jax.experimental import pallas as pl
from jax.experimental.pallas import tpu as pltpu
from jax.experimental.pallas import tpu_sc as plsc

_INFO = plsc.get_sparse_core_info()
_NC = _INFO.num_cores
_NS = _INFO.num_subcores
_NW = _NC * _NS
_K = 8
_NBUF = 2
_WIDE = 128


def _make_gather(num_rows: int, d: int, b0: int, b1: int):
    assert b0 % _NW == 0
    rows_per_w = b0 // _NW
    assert rows_per_w % (_K * _NBUF) == 0
    n_groups = rows_per_w // _K
    n_outer = n_groups // _NBUF
    mesh = plsc.VectorSubcoreMesh(core_axis_name="c", subcore_axis_name="s")

    @functools.partial(
        pl.kernel,
        mesh=mesh,
        out_type=jax.ShapeDtypeStruct((b0, b1, _WIDE), jnp.float32),
        scratch_types=[
            pltpu.VMEM((rows_per_w, b1), jnp.int32),
            pltpu.VMEM((_NBUF, _K, b1, _WIDE), jnp.float32),
            pltpu.SemaphoreType.DMA((_NBUF,)),
        ],
        compiler_params=pltpu.CompilerParams(use_tc_tiling_on_sc=True),
    )
    def gather_kernel(token_hbm, idx_hbm, out_hbm, idx_v, rows_v, sems):
        wid = lax.axis_index("s") * _NC + lax.axis_index("c")
        base = wid * rows_per_w
        pltpu.sync_copy(idx_hbm.at[pl.ds(base, rows_per_w)], idx_v)

        def start_group(j, b):
            for q in range(_K):
                pltpu.async_copy(
                    token_hbm.at[idx_v.at[j * _K + q]], rows_v.at[b, q], sems.at[b]
                )

        def wait_group(j, b):
            for q in range(_K):
                pltpu.make_async_copy(
                    token_hbm.at[idx_v.at[j * _K + q]], rows_v.at[b, q], sems.at[b]
                ).wait()

        for b in range(_NBUF):
            start_group(b, b)

        def outer(g, carry):
            for b in range(_NBUF):
                j = g * _NBUF + b
                wait_group(j, b)
                pltpu.sync_copy(
                    rows_v.at[b], out_hbm.at[pl.ds(base + j * _K, _K)]
                )

                @pl.when(g < n_outer - 1)
                def _():
                    start_group(j + _NBUF, b)

            return carry

        lax.fori_loop(0, n_outer, outer, 0)

    return gather_kernel


def kernel(x, token):
    b0, b1 = x.shape
    num_rows, d = token.shape
    token_wide = jnp.pad(token, ((0, 0), (0, _WIDE - d)))
    wide = _make_gather(num_rows, d, b0, b1)(token_wide, x.astype(jnp.int32))
    return wide[:, :, :d]

# --- scband reference (transcript-rebuilt; emitter-appended) ---
"""Pipeline reference for scband-token-16106127360093 (READ-ONLY COPY).

The authoritative reference and input builder live on the scoring server;
editing this copy changes nothing except your own understanding.
"""

import jax, jax.numpy as jnp
import numpy as np


def setup_inputs(seed: int = 0) -> dict:
    key = jax.random.key(seed)
    k1, k2 = jax.random.split(key)
    x = jax.random.randint(k1, (4096, 50), 0, 100000, dtype=jnp.int64 if jax.config.read('jax_enable_x64') else jnp.int32)
    token = jax.random.normal(k2, (100000, 64), dtype=jnp.float32)
    return {"x": x, "token": token}


def reference(x, token):
    # Token.forward: return self.token[x.long()]
    return jnp.take(token, x, axis=0)

if __name__ == "__main__":
    import jax
    _d = setup_inputs()
    print(jax.jit(kernel)(*tuple(_d.values())))

</pallas_src>

<mosaic_0001>
#map = affine_map<(d0, d1) -> (0, 0)>
#map1 = affine_map<(d0, d1) -> (0, 0, 0)>
module attributes {stable_mosaic.version = 14 : i64} {
  func.func @gather_kernel(%arg0: i32, %arg1: i32, %arg2: memref<100000x128xf32, #tpu.memory_space<hbm>>, %arg3: memref<4096x50xi32, #tpu.memory_space<hbm>>, %arg4: memref<4096x50x128xf32, #tpu.memory_space<hbm>>, %arg5: memref<128x50xi32, #tpu.memory_space<vmem>>, %arg6: memref<2x8x50x128xf32, #tpu.memory_space<vmem>>, %arg7: memref<2x!tpu.dma_semaphore, #tpu.memory_space<semaphore_mem>>) attributes {dimension_semantics = [#tpu.dimension_semantics<core_parallel>, #tpu.dimension_semantics<subcore_parallel>], iteration_bounds = array<i64: 2, 16>, scalar_prefetch = 0 : i64, scratch_operands = 3 : i64, tpu.core_type = #tpu.core_type<sc_vector_subcore>, window_params = [{transform_indices = #map}, {transform_indices = #map}, {transform_indices = #map1}]} {
    %mul3A = arith.constant 2 : i32
    %mul3A_0 = arith.muli %arg1, %mul3A : i32
    %add3A = arith.addi %mul3A_0, %arg0 : i32
    %mul3A_1 = arith.constant 128 : i32
    %mul3A_2 = arith.muli %add3A, %mul3A_1 : i32
    "tpu.region"() ({
      %run_scoped3A = tpu.sem_alloc : memref<!tpu.dma_semaphore, #tpu.memory_space<semaphore_mem>>
      %dma_start3A_263 = arith.constant 0 : i32
      %dma_start3A_264 = tpu.memref_slice %arg3[%mul3A_2, %dma_start3A_263] : memref<4096x50xi32, #tpu.memory_space<hbm>> -> memref<128x50xi32, #tpu.memory_space<hbm>>
      %dma_start3A_265 = arith.constant 0 : i32
      %dma_start3A_266 = tpu.memref_slice %arg3[%mul3A_2, %dma_start3A_265] : memref<4096x50xi32, #tpu.memory_space<hbm>> -> memref<128x50xi32, #tpu.memory_space<hbm>>
      tpu.enqueue_dma source(%dma_start3A_266 : memref<128x50xi32, #tpu.memory_space<hbm>>) target(%arg5 : memref<128x50xi32, #tpu.memory_space<vmem>>) target_semaphore(%run_scoped3A : memref<!tpu.dma_semaphore, #tpu.memory_space<semaphore_mem>>)
      %dma_wait3A = arith.constant 0 : i32
      %dma_wait3A_267 = tpu.memref_slice %arg3[%mul3A_2, %dma_wait3A] : memref<4096x50xi32, #tpu.memory_space<hbm>> -> memref<128x50xi32, #tpu.memory_space<hbm>>
      %dma_wait3A_268 = arith.constant 0 : i32
      %dma_wait3A_269 = tpu.memref_slice %arg3[%mul3A_2, %dma_wait3A_268] : memref<4096x50xi32, #tpu.memory_space<hbm>> -> memref<128x50xi32, #tpu.memory_space<hbm>>
      tpu.wait_dma2 semaphore(%run_scoped3A : memref<!tpu.dma_semaphore, #tpu.memory_space<semaphore_mem>>) src(%dma_wait3A_269 : memref<128x50xi32, #tpu.memory_space<hbm>>) dst(%arg5 : memref<128x50xi32, #tpu.memory_space<vmem>>)
      tpu.yield
    }) : () -> ()
    %dma_start3A = arith.constant 0 : i32
    %dma_start3A_3 = arith.constant 0 : i32
    %dma_start3A_4 = arith.constant 0 : i32
    %dma_start3A_5 = arith.constant 0 : i32
    %dma_start3A_6 = arith.constant 0 : i32
    %dma_start3A_7 = arith.constant 0 : i32
    %dma_start3A_8 = tpu.memref_slice %arg6[%dma_start3A_3, %dma_start3A_4, %dma_start3A_6, %dma_start3A_7] : memref<2x8x50x128xf32, #tpu.memory_space<vmem>> -> memref<1x1x50x128xf32, #tpu.memory_space<vmem>>
    %dma_start3A_9 = tpu.memref_squeeze %dma_start3A_8 : memref<1x1x50x128xf32, #tpu.memory_space<vmem>> -> memref<50x128xf32, #tpu.memory_space<vmem>>
    %dma_start3A_10 = arith.constant 0 : i32
    %dma_start3A_11 = tpu.memref_slice %arg5[%dma_start3A, %dma_start3A_10] : memref<128x50xi32, #tpu.memory_space<vmem>> -> memref<1x50xi32, #tpu.memory_space<vmem>>
    %dma_start3A_12 = tpu.memref_squeeze %dma_start3A_11 : memref<1x50xi32, #tpu.memory_space<vmem>> -> memref<50xi32, #tpu.memory_space<vmem>>
    %dma_start3A_13 = arith.constant 0 : i32
    %dma_start3A_14 = arith.constant 0 : i32
    %dma_start3A_15 = tpu.memref_slice %arg2[%dma_start3A_13, %dma_start3A_14] : memref<100000x128xf32, #tpu.memory_space<hbm>> -> memref<100000x128xf32, #tpu.memory_space<hbm>>
    %dma_start3A_16 = tpu.memref_slice %arg7[%dma_start3A_5] : memref<2x!tpu.dma_semaphore, #tpu.memory_space<semaphore_mem>> -> memref<1x!tpu.dma_semaphore, #tpu.memory_space<semaphore_mem>>
    %dma_start3A_17 = tpu.memref_squeeze %dma_start3A_16 : memref<1x!tpu.dma_semaphore, #tpu.memory_space<semaphore_mem>> -> memref<!tpu.dma_semaphore, #tpu.memory_space<semaphore_mem>>
    tpu.enqueue_indirect_dma source(%dma_start3A_15 : memref<100000x128xf32, #tpu.memory_space<hbm>>) target(%dma_start3A_9 : memref<50x128xf32, #tpu.memory_space<vmem>>) offsets(%dma_start3A_12 : memref<50xi32, #tpu.memory_space<vmem>>) semaphore(%dma_start3A_17 : memref<!tpu.dma_semaphore, #tpu.memory_space<semaphore_mem>>)
    %dma_start3A_18 = arith.constant 1 : i32
    %dma_start3A_19 = arith.constant 0 : i32
    %dma_start3A_20 = arith.constant 1 : i32
    %dma_start3A_21 = arith.constant 0 : i32
    %dma_start3A_22 = arith.constant 0 : i32
    %dma_start3A_23 = arith.constant 0 : i32
    %dma_start3A_24 = tpu.memref_slice %arg6[%dma_start3A_19, %dma_start3A_20, %dma_start3A_22, %dma_start3A_23] : memref<2x8x50x128xf32, #tpu.memory_space<vmem>> -> memref<1x1x50x128xf32, #tpu.memory_space<vmem>>
    %dma_start3A_25 = tpu.memref_squeeze %dma_start3A_24 : memref<1x1x50x128xf32, #tpu.memory_space<vmem>> -> memref<50x128xf32, #tpu.memory_space<vmem>>
    %dma_start3A_26 = arith.constant 0 : i32
    %dma_start3A_27 = tpu.memref_slice %arg5[%dma_start3A_18, %dma_start3A_26] : memref<128x50xi32, #tpu.memory_space<vmem>> -> memref<1x50xi32, #tpu.memory_space<vmem>>
    %dma_start3A_28 = tpu.memref_squeeze %dma_start3A_27 : memref<1x50xi32, #tpu.memory_space<vmem>> -> memref<50xi32, #tpu.memory_space<vmem>>
    %dma_start3A_29 = arith.constant 0 : i32
    %dma_start3A_30 = arith.constant 0 : i32
    %dma_start3A_31 = tpu.memref_slice %arg2[%dma_start3A_29, %dma_start3A_30] : memref<100000x128xf32, #tpu.memory_space<hbm>> -> memref<100000x128xf32, #tpu.memory_space<hbm>>
    %dma_start3A_32 = tpu.memref_slice %arg7[%dma_start3A_21] : memref<2x!tpu.dma_semaphore, #tpu.memory_space<semaphore_mem>> -> memref<1x!tpu.dma_semaphore, #tpu.memory_space<semaphore_mem>>
    %dma_start3A_33 = tpu.memref_squeeze %dma_start3A_32 : memref<1x!tpu.dma_semaphore, #tpu.memory_space<semaphore_mem>> -> memref<!tpu.dma_semaphore, #tpu.memory_space<semaphore_mem>>
    tpu.enqueue_indirect_dma source(%dma_start3A_31 : memref<100000x128xf32, #tpu.memory_space<hbm>>) target(%dma_start3A_25 : memref<50x128xf32, #tpu.memory_space<vmem>>) offsets(%dma_start3A_28 : memref<50xi32, #tpu.memory_space<vmem>>) semaphore(%dma_start3A_33 : memref<!tpu.dma_semaphore, #tpu.memory_space<semaphore_mem>>)
    %dma_start3A_34 = arith.constant 2 : i32
    %dma_start3A_35 = arith.constant 0 : i32
    %dma_start3A_36 = arith.constant 2 : i32
    %dma_start3A_37 = arith.constant 0 : i32
    %dma_start3A_38 = arith.constant 0 : i32
    %dma_start3A_39 = arith.constant 0 : i32
    %dma_start3A_40 = tpu.memref_slice %arg6[%dma_start3A_35, %dma_start3A_36, %dma_start3A_38, %dma_start3A_39] : memref<2x8x50x128xf32, #tpu.memory_space<vmem>> -> memref<1x1x50x128xf32, #tpu.memory_space<vmem>>
    %dma_start3A_41 = tpu.memref_squeeze %dma_start3A_40 : memref<1x1x50x128xf32, #tpu.memory_space<vmem>> -> memref<50x128xf32, #tpu.memory_space<vmem>>
    %dma_start3A_42 = arith.constant 0 : i32
    %dma_start3A_43 = tpu.memref_slice %arg5[%dma_start3A_34, %dma_start3A_42] : memref<128x50xi32, #tpu.memory_space<vmem>> -> memref<1x50xi32, #tpu.memory_space<vmem>>
    %dma_start3A_44 = tpu.memref_squeeze %dma_start3A_43 : memref<1x50xi32, #tpu.memory_space<vmem>> -> memref<50xi32, #tpu.memory_space<vmem>>
    %dma_start3A_45 = arith.constant 0 : i32
    %dma_start3A_46 = arith.constant 0 : i32
    %dma_start3A_47 = tpu.memref_slice %arg2[%dma_start3A_45, %dma_start3A_46] : memref<100000x128xf32, #tpu.memory_space<hbm>> -> memref<100000x128xf32, #tpu.memory_space<hbm>>
    %dma_start3A_48 = tpu.memref_slice %arg7[%dma_start3A_37] : memref<2x!tpu.dma_semaphore, #tpu.memory_space<semaphore_mem>> -> memref<1x!tpu.dma_semaphore, #tpu.memory_space<semaphore_mem>>
    %dma_start3A_49 = tpu.memref_squeeze %dma_start3A_48 : memref<1x!tpu.dma_semaphore, #tpu.memory_space<semaphore_mem>> -> memref<!tpu.dma_semaphore, #tpu.memory_space<semaphore_mem>>
    tpu.enqueue_indirect_dma source(%dma_start3A_47 : memref<100000x128xf32, #tpu.memory_space<hbm>>) target(%dma_start3A_41 : memref<50x128xf32, #tpu.memory_space<vmem>>) offsets(%dma_start3A_44 : memref<50xi32, #tpu.memory_space<vmem>>) semaphore(%dma_start3A_49 : memref<!tpu.dma_semaphore, #tpu.memory_space<semaphore_mem>>)
    %dma_start3A_50 = arith.constant 3 : i32
    %dma_start3A_51 = arith.constant 0 : i32
    %dma_start3A_52 = arith.constant 3 : i32
    %dma_start3A_53 = arith.constant 0 : i32
    %dma_start3A_54 = arith.constant 0 : i32
    %dma_start3A_55 = arith.constant 0 : i32
    %dma_start3A_56 = tpu.memref_slice %arg6[%dma_start3A_51, %dma_start3A_52, %dma_start3A_54, %dma_start3A_55] : memref<2x8x50x128xf32, #tpu.memory_space<vmem>> -> memref<1x1x50x128xf32, #tpu.memory_space<vmem>>
    %dma_start3A_57 = tpu.memref_squeeze %dma_start3A_56 : memref<1x1x50x128xf32, #tpu.memory_space<vmem>> -> memref<50x128xf32, #tpu.memory_space<vmem>>
    %dma_start3A_58 = arith.constant 0 : i32
    %dma_start3A_59 = tpu.memref_slice %arg5[%dma_start3A_50, %dma_start3A_58] : memref<128x50xi32, #tpu.memory_space<vmem>> -> memref<1x50xi32, #tpu.memory_space<vmem>>
    %dma_start3A_60 = tpu.memref_squeeze %dma_start3A_59 : memref<1x50xi32, #tpu.memory_space<vmem>> -> memref<50xi32, #tpu.memory_space<vmem>>
    %dma_start3A_61 = arith.constant 0 : i32
    %dma_start3A_62 = arith.constant 0 : i32
    %dma_start3A_63 = tpu.memref_slice %arg2[%dma_start3A_61, %dma_start3A_62] : memref<100000x128xf32, #tpu.memory_space<hbm>> -> memref<100000x128xf32, #tpu.memory_space<hbm>>
    %dma_start3A_64 = tpu.memref_slice %arg7[%dma_start3A_53] : memref<2x!tpu.dma_semaphore, #tpu.memory_space<semaphore_mem>> -> memref<1x!tpu.dma_semaphore, #tpu.memory_space<semaphore_mem>>
    %dma_start3A_65 = tpu.memref_squeeze %dma_start3A_64 : memref<1x!tpu.dma_semaphore, #tpu.memory_space<semaphore_mem>> -> memref<!tpu.dma_semaphore, #tpu.memory_space<semaphore_mem>>
    tpu.enqueue_indirect_dma source(%dma_start3A_63 : memref<100000x128xf32, #tpu.memory_space<hbm>>) target(%dma_start3A_57 : memref<50x128xf32, #tpu.memory_space<vmem>>) offsets(%dma_start3A_60 : memref<50xi32, #tpu.memory_space<vmem>>) semaphore(%dma_start3A_65 : memref<!tpu.dma_semaphore, #tpu.memory_space<semaphore_mem>>)
    %dma_start3A_66 = arith.constant 4 : i32
    %dma_start3A_67 = arith.constant 0 : i32
    %dma_start3A_68 = arith.constant 4 : i32
    %dma_start3A_69 = arith.constant 0 : i32
    %dma_start3A_70 = arith.constant 0 : i32
    %dma_start3A_71 = arith.constant 0 : i32
    %dma_start3A_72 = tpu.memref_slice %arg6[%dma_start3A_67, %dma_start3A_68, %dma_start3A_70, %dma_start3A_71] : memref<2x8x50x128xf32, #tpu.memory_space<vmem>> -> memref<1x1x50x128xf32, #tpu.memory_space<vmem>>
    %dma_start3A_73 = tpu.memref_squeeze %dma_start3A_72 : memref<1x1x50x128xf32, #tpu.memory_space<vmem>> -> memref<50x128xf32, #tpu.memory_space<vmem>>
    %dma_start3A_74 = arith.constant 0 : i32
    %dma_start3A_75 = tpu.memref_slice %arg5[%dma_start3A_66, %dma_start3A_74] : memref<128x50xi32, #tpu.memory_space<vmem>> -> memref<1x50xi32, #tpu.memory_space<vmem>>
    %dma_start3A_76 = tpu.memref_squeeze %dma_start3A_75 : memref<1x50xi32, #tpu.memory_space<vmem>> -> memref<50xi32, #tpu.memory_space<vmem>>
    %dma_start3A_77 = arith.constant 0 : i32
    %dma_start3A_78 = arith.constant 0 : i32
    %dma_start3A_79 = tpu.memref_slice %arg2[%dma_start3A_77, %dma_start3A_78] : memref<100000x128xf32, #tpu.memory_space<hbm>> -> memref<100000x128xf32, #tpu.memory_space<hbm>>
    %dma_start3A_80 = tpu.memref_slice %arg7[%dma_start3A_69] : memref<2x!tpu.dma_semaphore, #tpu.memory_space<semaphore_mem>> -> memref<1x!tpu.dma_semaphore, #tpu.memory_space<semaphore_mem>>
    %dma_start3A_81 = tpu.memref_squeeze %dma_start3A_80 : memref<1x!tpu.dma_semaphore, #tpu.memory_space<semaphore_mem>> -> memref<!tpu.dma_semaphore, #tpu.memory_space<semaphore_mem>>
    tpu.enqueue_indirect_dma source(%dma_start3A_79 : memref<100000x128xf32, #tpu.memory_space<hbm>>) target(%dma_start3A_73 : memref<50x128xf32, #tpu.memory_space<vmem>>) offsets(%dma_start3A_76 : memref<50xi32, #tpu.memory_space<vmem>>) semaphore(%dma_start3A_81 : memref<!tpu.dma_semaphore, #tpu.memory_space<semaphore_mem>>)
    %dma_start3A_82 = arith.constant 5 : i32
    %dma_start3A_83 = arith.constant 0 : i32
    %dma_start3A_84 = arith.constant 5 : i32
    %dma_start3A_85 = arith.constant 0 : i32
    %dma_start3A_86 = arith.constant 0 : i32
    %dma_start3A_87 = arith.constant 0 : i32
    %dma_start3A_88 = tpu.memref_slice %arg6[%dma_start3A_83, %dma_start3A_84, %dma_start3A_86, %dma_start3A_87] : memref<2x8x50x128xf32, #tpu.memory_space<vmem>> -> memref<1x1x50x128xf32, #tpu.memory_space<vmem>>
    %dma_start3A_89 = tpu.memref_squeeze %dma_start3A_88 : memref<1x1x50x128xf32, #tpu.memory_space<vmem>> -> memref<50x128xf32, #tpu.memory_space<vmem>>
    %dma_start3A_90 = arith.constant 0 : i32
    %dma_start3A_91 = tpu.memref_slice %arg5[%dma_start3A_82, %dma_start3A_90] : memref<128x50xi32, #tpu.memory_space<vmem>> -> memref<1x50xi32, #tpu.memory_space<vmem>>
    %dma_start3A_92 = tpu.memref_squeeze %dma_start3A_91 : memref<1x50xi32, #tpu.memory_space<vmem>> -> memref<50xi32, #tpu.memory_space<vmem>>
    %dma_start3A_93 = arith.constant 0 : i32
    %dma_start3A_94 = arith.constant 0 : i32
    %dma_start3A_95 = tpu.memref_slice %arg2[%dma_start3A_93, %dma_start3A_94] : memref<100000x128xf32, #tpu.memory_space<hbm>> -> memref<100000x128xf32, #tpu.memory_space<hbm>>
    %dma_start3A_96 = tpu.memref_slice %arg7[%dma_start3A_85] : memref<2x!tpu.dma_semaphore, #tpu.memory_space<semaphore_mem>> -> memref<1x!tpu.dma_semaphore, #tpu.memory_space<semaphore_mem>>
    %dma_start3A_97 = tpu.memref_squeeze %dma_start3A_96 : memref<1x!tpu.dma_semaphore, #tpu.memory_space<semaphore_mem>> -> memref<!tpu.dma_semaphore, #tpu.memory_space<semaphore_mem>>
    tpu.enqueue_indirect_dma source(%dma_start3A_95 : memref<100000x128xf32, #tpu.memory_space<hbm>>) target(%dma_start3A_89 : memref<50x128xf32, #tpu.memory_space<vmem>>) offsets(%dma_start3A_92 : memref<50xi32, #tpu.memory_space<vmem>>) semaphore(%dma_start3A_97 : memref<!tpu.dma_semaphore, #tpu.memory_space<semaphore_mem>>)
    %dma_start3A_98 = arith.constant 6 : i32
    %dma_start3A_99 = arith.constant 0 : i32
    %dma_start3A_100 = arith.constant 6 : i32
    %dma_start3A_101 = arith.constant 0 : i32
    %dma_start3A_102 = arith.constant 0 : i32
    %dma_start3A_103 = arith.constant 0 : i32
    %dma_start3A_104 = tpu.memref_slice %arg6[%dma_start3A_99, %dma_start3A_100, %dma_start3A_102, %dma_start3A_103] : memref<2x8x50x128xf32, #tpu.memory_space<vmem>> -> memref<1x1x50x128xf32, #tpu.memory_space<vmem>>
    %dma_start3A_105 = tpu.memref_squeeze %dma_start3A_104 : memref<1x1x50x128xf32, #tpu.memory_space<vmem>> -> memref<50x128xf32, #tpu.memory_space<vmem>>
    %dma_start3A_106 = arith.constant 0 : i32
    %dma_start3A_107 = tpu.memref_slice %arg5[%dma_start3A_98, %dma_start3A_106] : memref<128x50xi32, #tpu.memory_space<vmem>> -> memref<1x50xi32, #tpu.memory_space<vmem>>
    %dma_start3A_108 = tpu.memref_squeeze %dma_start3A_107 : memref<1x50xi32, #tpu.memory_space<vmem>> -> memref<50xi32, #tpu.memory_space<vmem>>
    %dma_start3A_109 = arith.constant 0 : i32
    %dma_start3A_110 = arith.constant 0 : i32
    %dma_start3A_111 = tpu.memref_slice %arg2[%dma_start3A_109, %dma_start3A_110] : memref<100000x128xf32, #tpu.memory_space<hbm>> -> memref<100000x128xf32, #tpu.memory_space<hbm>>
    %dma_start3A_112 = tpu.memref_slice %arg7[%dma_start3A_101] : memref<2x!tpu.dma_semaphore, #tpu.memory_space<semaphore_mem>> -> memref<1x!tpu.dma_semaphore, #tpu.memory_space<semaphore_mem>>
    %dma_start3A_113 = tpu.memref_squeeze %dma_start3A_112 : memref<1x!tpu.dma_semaphore, #tpu.memory_space<semaphore_mem>> -> memref<!tpu.dma_semaphore, #tpu.memory_space<semaphore_mem>>
    tpu.enqueue_indirect_dma source(%dma_start3A_111 : memref<100000x128xf32, #tpu.memory_space<hbm>>) target(%dma_start3A_105 : memref<50x128xf32, #tpu.memory_space<vmem>>) offsets(%dma_start3A_108 : memref<50xi32, #tpu.memory_space<vmem>>) semaphore(%dma_start3A_113 : memref<!tpu.dma_semaphore, #tpu.memory_space<semaphore_mem>>)
    %dma_start3A_114 = arith.constant 7 : i32
    %dma_start3A_115 = arith.constant 0 : i32
    %dma_start3A_116 = arith.constant 7 : i32
    %dma_start3A_117 = arith.constant 0 : i32
    %dma_start3A_118 = arith.constant 0 : i32
    %dma_start3A_119 = arith.constant 0 : i32
    %dma_start3A_120 = tpu.memref_slice %arg6[%dma_start3A_115, %dma_start3A_116, %dma_start3A_118, %dma_start3A_119] : memref<2x8x50x128xf32, #tpu.memory_space<vmem>> -> memref<1x1x50x128xf32, #tpu.memory_space<vmem>>
    %dma_start3A_121 = tpu.memref_squeeze %dma_start3A_120 : memref<1x1x50x128xf32, #tpu.memory_space<vmem>> -> memref<50x128xf32, #tpu.memory_space<vmem>>
    %dma_start3A_122 = arith.constant 0 : i32
    %dma_start3A_123 = tpu.memref_slice %arg5[%dma_start3A_114, %dma_start3A_122] : memref<128x50xi32, #tpu.memory_space<vmem>> -> memref<1x50xi32, #tpu.memory_space<vmem>>
    %dma_start3A_124 = tpu.memref_squeeze %dma_start3A_123 : memref<1x50xi32, #tpu.memory_space<vmem>> -> memref<50xi32, #tpu.memory_space<vmem>>
    %dma_start3A_125 = arith.constant 0 : i32
    %dma_start3A_126 = arith.constant 0 : i32
    %dma_start3A_127 = tpu.memref_slice %arg2[%dma_start3A_125, %dma_start3A_126] : memref<100000x128xf32, #tpu.memory_space<hbm>> -> memref<100000x128xf32, #tpu.memory_space<hbm>>
    %dma_start3A_128 = tpu.memref_slice %arg7[%dma_start3A_117] : memref<2x!tpu.dma_semaphore, #tpu.memory_space<semaphore_mem>> -> memref<1x!tpu.dma_semaphore, #tpu.memory_space<semaphore_mem>>
    %dma_start3A_129 = tpu.memref_squeeze %dma_start3A_128 : memref<1x!tpu.dma_semaphore, #tpu.memory_space<semaphore_mem>> -> memref<!tpu.dma_semaphore, #tpu.memory_space<semaphore_mem>>
    tpu.enqueue_indirect_dma source(%dma_start3A_127 : memref<100000x128xf32, #tpu.memory_space<hbm>>) target(%dma_start3A_121 : memref<50x128xf32, #tpu.memory_space<vmem>>) offsets(%dma_start3A_124 : memref<50xi32, #tpu.memory_space<vmem>>) semaphore(%dma_start3A_129 : memref<!tpu.dma_semaphore, #tpu.memory_space<semaphore_mem>>)
    %dma_start3A_130 = arith.constant 8 : i32
    %dma_start3A_131 = arith.constant 1 : i32
    %dma_start3A_132 = arith.constant 0 : i32
    %dma_start3A_133 = arith.constant 1 : i32
    %dma_start3A_134 = arith.constant 0 : i32
    %dma_start3A_135 = arith.constant 0 : i32
    %dma_start3A_136 = tpu.memref_slice %arg6[%dma_start3A_131, %dma_start3A_132, %dma_start3A_134, %dma_start3A_135] : memref<2x8x50x128xf32, #tpu.memory_space<vmem>> -> memref<1x1x50x128xf32, #tpu.memory_space<vmem>>
    %dma_start3A_137 = tpu.memref_squeeze %dma_start3A_136 : memref<1x1x50x128xf32, #tpu.memory_space<vmem>> -> memref<50x128xf32, #tpu.memory_space<vmem>>
    %dma_start3A_138 = arith.constant 0 : i32
    %dma_start3A_139 = tpu.memref_slice %arg5[%dma_start3A_130, %dma_start3A_138] : memref<128x50xi32, #tpu.memory_space<vmem>> -> memref<1x50xi32, #tpu.memory_space<vmem>>
    %dma_start3A_140 = tpu.memref_squeeze %dma_start3A_139 : memref<1x50xi32, #tpu.memory_space<vmem>> -> memref<50xi32, #tpu.memory_space<vmem>>
    %dma_start3A_141 = arith.constant 0 : i32
    %dma_start3A_142 = arith.constant 0 : i32
    %dma_start3A_143 = tpu.memref_slice %arg2[%dma_start3A_141, %dma_start3A_142] : memref<100000x128xf32, #tpu.memory_space<hbm>> -> memref<100000x128xf32, #tpu.memory_space<hbm>>
    %dma_start3A_144 = tpu.memref_slice %arg7[%dma_start3A_133] : memref<2x!tpu.dma_semaphore, #tpu.memory_space<semaphore_mem>> -> memref<1x!tpu.dma_semaphore, #tpu.memory_space<semaphore_mem>>
    %dma_start3A_145 = tpu.memref_squeeze %dma_start3A_144 : memref<1x!tpu.dma_semaphore, #tpu.memory_space<semaphore_mem>> -> memref<!tpu.dma_semaphore, #tpu.memory_space<semaphore_mem>>
    tpu.enqueue_indirect_dma source(%dma_start3A_143 : memref<100000x128xf32, #tpu.memory_space<hbm>>) target(%dma_start3A_137 : memref<50x128xf32, #tpu.memory_space<vmem>>) offsets(%dma_start3A_140 : memref<50xi32, #tpu.memory_space<vmem>>) semaphore(%dma_start3A_145 : memref<!tpu.dma_semaphore, #tpu.memory_space<semaphore_mem>>)
    %dma_start3A_146 = arith.constant 9 : i32
    %dma_start3A_147 = arith.constant 1 : i32
    %dma_start3A_148 = arith.constant 1 : i32
    %dma_start3A_149 = arith.constant 1 : i32
    %dma_start3A_150 = arith.constant 0 : i32
    %dma_start3A_151 = arith.constant 0 : i32
    %dma_start3A_152 = tpu.memref_slice %arg6[%dma_start3A_147, %dma_start3A_148, %dma_start3A_150, %dma_start3A_151] : memref<2x8x50x128xf32, #tpu.memory_space<vmem>> -> memref<1x1x50x128xf32, #tpu.memory_space<vmem>>
    %dma_start3A_153 = tpu.memref_squeeze %dma_start3A_152 : memref<1x1x50x128xf32, #tpu.memory_space<vmem>> -> memref<50x128xf32, #tpu.memory_space<vmem>>
    %dma_start3A_154 = arith.constant 0 : i32
    %dma_start3A_155 = tpu.memref_slice %arg5[%dma_start3A_146, %dma_start3A_154] : memref<128x50xi32, #tpu.memory_space<vmem>> -> memref<1x50xi32, #tpu.memory_space<vmem>>
    %dma_start3A_156 = tpu.memref_squeeze %dma_start3A_155 : memref<1x50xi32, #tpu.memory_space<vmem>> -> memref<50xi32, #tpu.memory_space<vmem>>
    %dma_start3A_157 = arith.constant 0 : i32
    %dma_start3A_158 = arith.constant 0 : i32
    %dma_start3A_159 = tpu.memref_slice %arg2[%dma_start3A_157, %dma_start3A_158] : memref<100000x128xf32, #tpu.memory_space<hbm>> -> memref<100000x128xf32, #tpu.memory_space<hbm>>
    %dma_start3A_160 = tpu.memref_slice %arg7[%dma_start3A_149] : memref<2x!tpu.dma_semaphore, #tpu.memory_space<semaphore_mem>> -> memref<1x!tpu.dma_semaphore, #tpu.memory_space<semaphore_mem>>
    %dma_start3A_161 = tpu.memref_squeeze %dma_start3A_160 : memref<1x!tpu.dma_semaphore, #tpu.memory_space<semaphore_mem>> -> memref<!tpu.dma_semaphore, #tpu.memory_space<semaphore_mem>>
    tpu.enqueue_indirect_dma source(%dma_start3A_159 : memref<100000x128xf32, #tpu.memory_space<hbm>>) target(%dma_start3A_153 : memref<50x128xf32, #tpu.memory_space<vmem>>) offsets(%dma_start3A_156 : memref<50xi32, #tpu.memory_space<vmem>>) semaphore(%dma_start3A_161 : memref<!tpu.dma_semaphore, #tpu.memory_space<semaphore_mem>>)
    %dma_start3A_162 = arith.constant 10 : i32
    %dma_start3A_163 = arith.constant 1 : i32
    %dma_start3A_164 = arith.constant 2 : i32
    %dma_start3A_165 = arith.constant 1 : i32
    %dma_start3A_166 = arith.constant 0 : i32
    %dma_start3A_167 = arith.constant 0 : i32
    %dma_start3A_168 = tpu.memref_slice %arg6[%dma_start3A_163, %dma_start3A_164, %dma_start3A_166, %dma_start3A_167] : memref<2x8x50x128xf32, #tpu.memory_space<vmem>> -> memref<1x1x50x128xf32, #tpu.memory_space<vmem>>
    %dma_start3A_169 = tpu.memref_squeeze %dma_start3A_168 : memref<1x1x50x128xf32, #tpu.memory_space<vmem>> -> memref<50x128xf32, #tpu.memory_space<vmem>>
    %dma_start3A_170 = arith.constant 0 : i32
    %dma_start3A_171 = tpu.memref_slice %arg5[%dma_start3A_162, %dma_start3A_170] : memref<128x50xi32, #tpu.memory_space<vmem>> -> memref<1x50xi32, #tpu.memory_space<vmem>>
    %dma_start3A_172 = tpu.memref_squeeze %dma_start3A_171 : memref<1x50xi32, #tpu.memory_space<vmem>> -> memref<50xi32, #tpu.memory_space<vmem>>
    %dma_start3A_173 = arith.constant 0 : i32
    %dma_start3A_174 = arith.constant 0 : i32
    %dma_start3A_175 = tpu.memref_slice %arg2[%dma_start3A_173, %dma_start3A_174] : memref<100000x128xf32, #tpu.memory_space<hbm>> -> memref<100000x128xf32, #tpu.memory_space<hbm>>
    %dma_start3A_176 = tpu.memref_slice %arg7[%dma_start3A_165] : memref<2x!tpu.dma_semaphore, #tpu.memory_space<semaphore_mem>> -> memref<1x!tpu.dma_semaphore, #tpu.memory_space<semaphore_mem>>
    %dma_start3A_177 = tpu.memref_squeeze %dma_start3A_176 : memref<1x!tpu.dma_semaphore, #tpu.memory_space<semaphore_mem>> -> memref<!tpu.dma_semaphore, #tpu.memory_space<semaphore_mem>>
    tpu.enqueue_indirect_dma source(%dma_start3A_175 : memref<100000x128xf32, #tpu.memory_space<hbm>>) target(%dma_start3A_169 : memref<50x128xf32, #tpu.memory_space<vmem>>) offsets(%dma_start3A_172 : memref<50xi32, #tpu.memory_space<vmem>>) semaphore(%dma_start3A_177 : memref<!tpu.dma_semaphore, #tpu.memory_space<semaphore_mem>>)
    %dma_start3A_178 = arith.constant 11 : i32
    %dma_start3A_179 = arith.constant 1 : i32
    %dma_start3A_180 = arith.constant 3 : i32
    %dma_start3A_181 = arith.constant 1 : i32
    %dma_start3A_182 = arith.constant 0 : i32
    %dma_start3A_183 = arith.constant 0 : i32
    %dma_start3A_184 = tpu.memref_slice %arg6[%dma_start3A_179, %dma_start3A_180, %dma_start3A_182, %dma_start3A_183] : memref<2x8x50x128xf32, #tpu.memory_space<vmem>> -> memref<1x1x50x128xf32, #tpu.memory_space<vmem>>
    %dma_start3A_185 = tpu.memref_squeeze %dma_start3A_184 : memref<1x1x50x128xf32, #tpu.memory_space<vmem>> -> memref<50x128xf32, #tpu.memory_space<vmem>>
    %dma_start3A_186 = arith.constant 0 : i32
    %dma_start3A_187 = tpu.memref_slice %arg5[%dma_start3A_178, %dma_start3A_186] : memref<128x50xi32, #tpu.memory_space<vmem>> -> memref<1x50xi32, #tpu.memory_space<vmem>>
    %dma_start3A_188 = tpu.memref_squeeze %dma_start3A_187 : memref<1x50xi32, #tpu.memory_space<vmem>> -> memref<50xi32, #tpu.memory_space<vmem>>
    %dma_start3A_189 = arith.constant 0 : i32
    %dma_start3A_190 = arith.constant 0 : i32
    %dma_start3A_191 = tpu.memref_slice %arg2[%dma_start3A_189, %dma_start3A_190] : memref<100000x128xf32, #tpu.memory_space<hbm>> -> memref<100000x128xf32, #tpu.memory_space<hbm>>
    %dma_start3A_192 = tpu.memref_slice %arg7[%dma_start3A_181] : memref<2x!tpu.dma_semaphore, #tpu.memory_space<semaphore_mem>> -> memref<1x!tpu.dma_semaphore, #tpu.memory_space<semaphore_mem>>
    %dma_start3A_193 = tpu.memref_squeeze %dma_start3A_192 : memref<1x!tpu.dma_semaphore, #tpu.memory_space<semaphore_mem>> -> memref<!tpu.dma_semaphore, #tpu.memory_space<semaphore_mem>>
    tpu.enqueue_indirect_dma source(%dma_start3A_191 : memref<100000x128xf32, #tpu.memory_space<hbm>>) target(%dma_start3A_185 : memref<50x128xf32, #tpu.memory_space<vmem>>) offsets(%dma_start3A_188 : memref<50xi32, #tpu.memory_space<vmem>>) semaphore(%dma_start3A_193 : memref<!tpu.dma_semaphore, #tpu.memory_space<semaphore_mem>>)
    %dma_start3A_194 = arith.constant 12 : i32
    %dma_start3A_195 = arith.constant 1 : i32
    %dma_start3A_196 = arith.constant 4 : i32
    %dma_start3A_197 = arith.constant 1 : i32
    %dma_start3A_198 = arith.constant 0 : i32
    %dma_start3A_199 = arith.constant 0 : i32
    %dma_start3A_200 = tpu.memref_slice %arg6[%dma_start3A_195, %dma_start3A_196, %dma_start3A_198, %dma_start3A_199] : memref<2x8x50x128xf32, #tpu.memory_space<vmem>> -> memref<1x1x50x128xf32, #tpu.memory_space<vmem>>
    %dma_start3A_201 = tpu.memref_squeeze %dma_start3A_200 : memref<1x1x50x128xf32, #tpu.memory_space<vmem>> -> memref<50x128xf32, #tpu.memory_space<vmem>>
    %dma_start3A_202 = arith.constant 0 : i32
    %dma_start3A_203 = tpu.memref_slice %arg5[%dma_start3A_194, %dma_start3A_202] : memref<128x50xi32, #tpu.memory_space<vmem>> -> memref<1x50xi32, #tpu.memory_space<vmem>>
    %dma_start3A_204 = tpu.memref_squeeze %dma_start3A_203 : memref<1x50xi32, #tpu.memory_space<vmem>> -> memref<50xi32, #tpu.memory_space<vmem>>
    %dma_start3A_205 = arith.constant 0 : i32
    %dma_start3A_206 = arith.constant 0 : i32
    %dma_start3A_207 = tpu.memref_slice %arg2[%dma_start3A_205, %dma_start3A_206] : memref<100000x128xf32, #tpu.memory_space<hbm>> -> memref<100000x128xf32, #tpu.memory_space<hbm>>
    %dma_start3A_208 = tpu.memref_slice %arg7[%dma_start3A_197] : memref<2x!tpu.dma_semaphore, #tpu.memory_space<semaphore_mem>> -> memref<1x!tpu.dma_semaphore, #tpu.memory_space<semaphore_mem>>
    %dma_start3A_209 = tpu.memref_squeeze %dma_start3A_208 : memref<1x!tpu.dma_semaphore, #tpu.memory_space<semaphore_mem>> -> memref<!tpu.dma_semaphore, #tpu.memory_space<semaphore_mem>>
    tpu.enqueue_indirect_dma source(%dma_start3A_207 : memref<100000x128xf32, #tpu.memory_space<hbm>>) target(%dma_start3A_201 : memref<50x128xf32, #tpu.memory_space<vmem>>) offsets(%dma_start3A_204 : memref<50xi32, #tpu.memory_space<vmem>>) semaphore(%dma_start3A_209 : memref<!tpu.dma_semaphore, #tpu.memory_space<semaphore_mem>>)
    %dma_start3A_210 = arith.constant 13 : i32
    %dma_start3A_211 = arith.constant 1 : i32
    %dma_start3A_212 = arith.constant 5 : i32
    %dma_start3A_213 = arith.constant 1 : i32
    %dma_start3A_214 = arith.constant 0 : i32
    %dma_start3A_215 = arith.constant 0 : i32
    %dma_start3A_216 = tpu.memref_slice %arg6[%dma_start3A_211, %dma_start3A_212, %dma_start3A_214, %dma_start3A_215] : memref<2x8x50x128xf32, #tpu.memory_space<vmem>> -> memref<1x1x50x128xf32, #tpu.memory_space<vmem>>
    %dma_start3A_217 = tpu.memref_squeeze %dma_start3A_216 : memref<1x1x50x128xf32, #tpu.memory_space<vmem>> -> memref<50x128xf32, #tpu.memory_space<vmem>>
    %dma_start3A_218 = arith.constant 0 : i32
    %dma_start3A_219 = tpu.memref_slice %arg5[%dma_start3A_210, %dma_start3A_218] : memref<128x50xi32, #tpu.memory_space<vmem>> -> memref<1x50xi32, #tpu.memory_space<vmem>>
    %dma_start3A_220 = tpu.memref_squeeze %dma_start3A_219 : memref<1x50xi32, #tpu.memory_space<vmem>> -> memref<50xi32, #tpu.memory_space<vmem>>
    %dma_start3A_221 = arith.constant 0 : i32
    %dma_start3A_222 = arith.constant 0 : i32
    %dma_start3A_223 = tpu.memref_slice %arg2[%dma_start3A_221, %dma_start3A_222] : memref<100000x128xf32, #tpu.memory_space<hbm>> -> memref<100000x128xf32, #tpu.memory_space<hbm>>
    %dma_start3A_224 = tpu.memref_slice %arg7[%dma_start3A_213] : memref<2x!tpu.dma_semaphore, #tpu.memory_space<semaphore_mem>> -> memref<1x!tpu.dma_semaphore, #tpu.memory_space<semaphore_mem>>
    %dma_start3A_225 = tpu.memref_squeeze %dma_start3A_224 : memref<1x!tpu.dma_semaphore, #tpu.memory_space<semaphore_mem>> -> memref<!tpu.dma_semaphore, #tpu.memory_space<semaphore_mem>>
    tpu.enqueue_indirect_dma source(%dma_start3A_223 : memref<100000x128xf32, #tpu.memory_space<hbm>>) target(%dma_start3A_217 : memref<50x128xf32, #tpu.memory_space<vmem>>) offsets(%dma_start3A_220 : memref<50xi32, #tpu.memory_space<vmem>>) semaphore(%dma_start3A_225 : memref<!tpu.dma_semaphore, #tpu.memory_space<semaphore_mem>>)
    %dma_start3A_226 = arith.constant 14 : i32
    %dma_start3A_227 = arith.constant 1 : i32
    %dma_start3A_228 = arith.constant 6 : i32
    %dma_start3A_229 = arith.constant 1 : i32
    %dma_start3A_230 = arith.constant 0 : i32
    %dma_start3A_231 = arith.constant 0 : i32
    %dma_start3A_232 = tpu.memref_slice %arg6[%dma_start3A_227, %dma_start3A_228, %dma_start3A_230, %dma_start3A_231] : memref<2x8x50x128xf32, #tpu.memory_space<vmem>> -> memref<1x1x50x128xf32, #tpu.memory_space<vmem>>
    %dma_start3A_233 = tpu.memref_squeeze %dma_start3A_232 : memref<1x1x50x128xf32, #tpu.memory_space<vmem>> -> memref<50x128xf32, #tpu.memory_space<vmem>>
    %dma_start3A_234 = arith.constant 0 : i32
    %dma_start3A_235 = tpu.memref_slice %arg5[%dma_start3A_226, %dma_start3A_234] : memref<128x50xi32, #tpu.memory_space<vmem>> -> memref<1x50xi32, #tpu.memory_space<vmem>>
    %dma_start3A_236 = tpu.memref_squeeze %dma_start3A_235 : memref<1x50xi32, #tpu.memory_space<vmem>> -> memref<50xi32, #tpu.memory_space<vmem>>
    %dma_start3A_237 = arith.constant 0 : i32
    %dma_start3A_238 = arith.constant 0 : i32
    %dma_start3A_239 = tpu.memref_slice %arg2[%dma_start3A_237, %dma_start3A_238] : memref<100000x128xf32, #tpu.memory_space<hbm>> -> memref<100000x128xf32, #tpu.memory_space<hbm>>
    %dma_start3A_240 = tpu.memref_slice %arg7[%dma_start3A_229] : memref<2x!tpu.dma_semaphore, #tpu.memory_space<semaphore_mem>> -> memref<1x!tpu.dma_semaphore, #tpu.memory_space<semaphore_mem>>
    %dma_start3A_241 = tpu.memref_squeeze %dma_start3A_240 : memref<1x!tpu.dma_semaphore, #tpu.memory_space<semaphore_mem>> -> memref<!tpu.dma_semaphore, #tpu.memory_space<semaphore_mem>>
    tpu.enqueue_indirect_dma source(%dma_start3A_239 : memref<100000x128xf32, #tpu.memory_space<hbm>>) target(%dma_start3A_233 : memref<50x128xf32, #tpu.memory_space<vmem>>) offsets(%dma_start3A_236 : memref<50xi32, #tpu.memory_space<vmem>>) semaphore(%dma_start3A_241 : memref<!tpu.dma_semaphore, #tpu.memory_space<semaphore_mem>>)
    %dma_start3A_242 = arith.constant 15 : i32
    %dma_start3A_243 = arith.constant 1 : i32
    %dma_start3A_244 = arith.constant 7 : i32
    %dma_start3A_245 = arith.constant 1 : i32
    %dma_start3A_246 = arith.constant 0 : i32
    %dma_start3A_247 = arith.constant 0 : i32
    %dma_start3A_248 = tpu.memref_slice %arg6[%dma_start3A_243, %dma_start3A_244, %dma_start3A_246, %dma_start3A_247] : memref<2x8x50x128xf32, #tpu.memory_space<vmem>> -> memref<1x1x50x128xf32, #tpu.memory_space<vmem>>
    %dma_start3A_249 = tpu.memref_squeeze %dma_start3A_248 : memref<1x1x50x128xf32, #tpu.memory_space<vmem>> -> memref<50x128xf32, #tpu.memory_space<vmem>>
    %dma_start3A_250 = arith.constant 0 : i32
    %dma_start3A_251 = tpu.memref_slice %arg5[%dma_start3A_242, %dma_start3A_250] : memref<128x50xi32, #tpu.memory_space<vmem>> -> memref<1x50xi32, #tpu.memory_space<vmem>>
    %dma_start3A_252 = tpu.memref_squeeze %dma_start3A_251 : memref<1x50xi32, #tpu.memory_space<vmem>> -> memref<50xi32, #tpu.memory_space<vmem>>
    %dma_start3A_253 = arith.constant 0 : i32
    %dma_start3A_254 = arith.constant 0 : i32
    %dma_start3A_255 = tpu.memref_slice %arg2[%dma_start3A_253, %dma_start3A_254] : memref<100000x128xf32, #tpu.memory_space<hbm>> -> memref<100000x128xf32, #tpu.memory_space<hbm>>
    %dma_start3A_256 = tpu.memref_slice %arg7[%dma_start3A_245] : memref<2x!tpu.dma_semaphore, #tpu.memory_space<semaphore_mem>> -> memref<1x!tpu.dma_semaphore, #tpu.memory_space<semaphore_mem>>
    %dma_start3A_257 = tpu.memref_squeeze %dma_start3A_256 : memref<1x!tpu.dma_semaphore, #tpu.memory_space<semaphore_mem>> -> memref<!tpu.dma_semaphore, #tpu.memory_space<semaphore_mem>>
    tpu.enqueue_indirect_dma source(%dma_start3A_255 : memref<100000x128xf32, #tpu.memory_space<hbm>>) target(%dma_start3A_249 : memref<50x128xf32, #tpu.memory_space<vmem>>) offsets(%dma_start3A_252 : memref<50xi32, #tpu.memory_space<vmem>>) semaphore(%dma_start3A_257 : memref<!tpu.dma_semaphore, #tpu.memory_space<semaphore_mem>>)
    %scan3A = arith.constant 0 : i32
    %scan3A_258 = arith.constant 0 : i32
    %scan3A_259 = arith.constant 8 : i32
    %scan3A_260 = arith.addi %scan3A_258, %scan3A_259 : i32
    %scan3A_261 = arith.constant 1 : i32
    scf.for %scan3A_263 = %scan3A_258 to %scan3A_260 step %scan3A_261  : i32 {
      %mul3A_264 = arith.constant 2 : i32
      %mul3A_265 = arith.muli %scan3A_263, %mul3A_264 : i32
      %add3A_266 = arith.constant 0 : i32
      %add3A_267 = arith.addi %mul3A_265, %add3A_266 : i32
      %mul3A_268 = arith.constant 8 : i32
      %mul3A_269 = arith.muli %add3A_267, %mul3A_268 : i32
      %add3A_270 = arith.constant 0 : i32
      %add3A_271 = arith.addi %mul3A_269, %add3A_270 : i32
      %dma_wait3A = arith.constant 0 : i32
      %dma_wait3A_272 = arith.constant 0 : i32
      %dma_wait3A_273 = arith.constant 0 : i32
      %dma_wait3A_274 = arith.constant 0 : i32
      %dma_wait3A_275 = arith.constant 0 : i32
      %dma_wait3A_276 = tpu.memref_slice %arg6[%dma_wait3A, %dma_wait3A_272, %dma_wait3A_274, %dma_wait3A_275] : memref<2x8x50x128xf32, #tpu.memory_space<vmem>> -> memref<1x1x50x128xf32, #tpu.memory_space<vmem>>
      %dma_wait3A_277 = tpu.memref_squeeze %dma_wait3A_276 : memref<1x1x50x128xf32, #tpu.memory_space<vmem>> -> memref<50x128xf32, #tpu.memory_space<vmem>>
      %dma_wait3A_278 = arith.constant 0 : i32
      %dma_wait3A_279 = tpu.memref_slice %arg5[%add3A_271, %dma_wait3A_278] : memref<128x50xi32, #tpu.memory_space<vmem>> -> memref<1x50xi32, #tpu.memory_space<vmem>>
      %dma_wait3A_280 = tpu.memref_squeeze %dma_wait3A_279 : memref<1x50xi32, #tpu.memory_space<vmem>> -> memref<50xi32, #tpu.memory_space<vmem>>
      %dma_wait3A_281 = arith.constant 0 : i32
      %dma_wait3A_282 = arith.constant 0 : i32
      %dma_wait3A_283 = tpu.memref_slice %arg2[%dma_wait3A_281, %dma_wait3A_282] : memref<100000x128xf32, #tpu.memory_space<hbm>> -> memref<100000x128xf32, #tpu.memory_space<hbm>>
      %dma_wait3A_284 = tpu.memref_slice %arg7[%dma_wait3A_273] : memref<2x!tpu.dma_semaphore, #tpu.memory_space<semaphore_mem>> -> memref<1x!tpu.dma_semaphore, #tpu.memory_space<semaphore_mem>>
      %dma_wait3A_285 = tpu.memref_squeeze %dma_wait3A_284 : memref<1x!tpu.dma_semaphore, #tpu.memory_space<semaphore_mem>> -> memref<!tpu.dma_semaphore, #tpu.memory_space<semaphore_mem>>
      tpu.wait_indirect_dma semaphore(%dma_wait3A_285 : memref<!tpu.dma_semaphore, #tpu.memory_space<semaphore_mem>>) src(%dma_wait3A_283 : memref<100000x128xf32, #tpu.memory_space<hbm>>) dst(%dma_wait3A_277 : memref<50x128xf32, #tpu.memory_space<vmem>>)
      %mul3A_286 = arith.constant 8 : i32
      %mul3A_287 = arith.muli %add3A_267, %mul3A_286 : i32
      %add3A_288 = arith.constant 1 : i32
      %add3A_289 = arith.addi %mul3A_287, %add3A_288 : i32
      %dma_wait3A_290 = arith.constant 0 : i32
      %dma_wait3A_291 = arith.constant 1 : i32
      %dma_wait3A_292 = arith.constant 0 : i32
      %dma_wait3A_293 = arith.constant 0 : i32
      %dma_wait3A_294 = arith.constant 0 : i32
      %dma_wait3A_295 = tpu.memref_slice %arg6[%dma_wait3A_290, %dma_wait3A_291, %dma_wait3A_293, %dma_wait3A_294] : memref<2x8x50x128xf32, #tpu.memory_space<vmem>> -> memref<1x1x50x128xf32, #tpu.memory_space<vmem>>
      %dma_wait3A_296 = tpu.memref_squeeze %dma_wait3A_295 : memref<1x1x50x128xf32, #tpu.memory_space<vmem>> -> memref<50x128xf32, #tpu.memory_space<vmem>>
      %dma_wait3A_297 = arith.constant 0 : i32
      %dma_wait3A_298 = tpu.memref_slice %arg5[%add3A_289, %dma_wait3A_297] : memref<128x50xi32, #tpu.memory_space<vmem>> -> memref<1x50xi32, #tpu.memory_space<vmem>>
      %dma_wait3A_299 = tpu.memref_squeeze %dma_wait3A_298 : memref<1x50xi32, #tpu.memory_space<vmem>> -> memref<50xi32, #tpu.memory_space<vmem>>
      %dma_wait3A_300 = arith.constant 0 : i32
      %dma_wait3A_301 = arith.constant 0 : i32
      %dma_wait3A_302 = tpu.memref_slice %arg2[%dma_wait3A_300, %dma_wait3A_301] : memref<100000x128xf32, #tpu.memory_space<hbm>> -> memref<100000x128xf32, #tpu.memory_space<hbm>>
      %dma_wait3A_303 = tpu.memref_slice %arg7[%dma_wait3A_292] : memref<2x!tpu.dma_semaphore, #tpu.memory_space<semaphore_mem>> -> memref<1x!tpu.dma_semaphore, #tpu.memory_space<semaphore_mem>>
      %dma_wait3A_304 = tpu.memref_squeeze %dma_wait3A_303 : memref<1x!tpu.dma_semaphore, #tpu.memory_space<semaphore_mem>> -> memref<!tpu.dma_semaphore, #tpu.memory_space<semaphore_mem>>
      tpu.wait_indirect_dma semaphore(%dma_wait3A_304 : memref<!tpu.dma_semaphore, #tpu.memory_space<semaphore_mem>>) src(%dma_wait3A_302 : memref<100000x128xf32, #tpu.memory_space<hbm>>) dst(%dma_wait3A_296 : memref<50x128xf32, #tpu.memory_space<vmem>>)
      %mul3A_305 = arith.constant 8 : i32
      %mul3A_306 = arith.muli %add3A_267, %mul3A_305 : i32
      %add3A_307 = arith.constant 2 : i32
      %add3A_308 = arith.addi %mul3A_306, %add3A_307 : i32
      %dma_wait3A_309 = arith.constant 0 : i32
      %dma_wait3A_310 = arith.constant 2 : i32
      %dma_wait3A_311 = arith.constant 0 : i32
      %dma_wait3A_312 = arith.constant 0 : i32
      %dma_wait3A_313 = arith.constant 0 : i32
      %dma_wait3A_314 = tpu.memref_slice %arg6[%dma_wait3A_309, %dma_wait3A_310, %dma_wait3A_312, %dma_wait3A_313] : memref<2x8x50x128xf32, #tpu.memory_space<vmem>> -> memref<1x1x50x128xf32, #tpu.memory_space<vmem>>
      %dma_wait3A_315 = tpu.memref_squeeze %dma_wait3A_314 : memref<1x1x50x128xf32, #tpu.memory_space<vmem>> -> memref<50x128xf32, #tpu.memory_space<vmem>>
      %dma_wait3A_316 = arith.constant 0 : i32
      %dma_wait3A_317 = tpu.memref_slice %arg5[%add3A_308, %dma_wait3A_316] : memref<128x50xi32, #tpu.memory_space<vmem>> -> memref<1x50xi32, #tpu.memory_space<vmem>>
      %dma_wait3A_318 = tpu.memref_squeeze %dma_wait3A_317 : memref<1x50xi32, #tpu.memory_space<vmem>> -> memref<50xi32, #tpu.memory_space<vmem>>
      %dma_wait3A_319 = arith.constant 0 : i32
      %dma_wait3A_320 = arith.constant 0 : i32
      %dma_wait3A_321 = tpu.memref_slice %arg2[%dma_wait3A_319, %dma_wait3A_320] : memref<100000x128xf32, #tpu.memory_space<hbm>> -> memref<100000x128xf32, #tpu.memory_space<hbm>>
      %dma_wait3A_322 = tpu.memref_slice %arg7[%dma_wait3A_311] : memref<2x!tpu.dma_semaphore, #tpu.memory_space<semaphore_mem>> -> memref<1x!tpu.dma_semaphore, #tpu.memory_space<semaphore_mem>>
      %dma_wait3A_323 = tpu.memref_squeeze %dma_wait3A_322 : memref<1x!tpu.dma_semaphore, #tpu.memory_space<semaphore_mem>> -> memref<!tpu.dma_semaphore, #tpu.memory_space<semaphore_mem>>
      tpu.wait_indirect_dma semaphore(%dma_wait3A_323 : memref<!tpu.dma_semaphore, #tpu.memory_space<semaphore_mem>>) src(%dma_wait3A_321 : memref<100000x128xf32, #tpu.memory_space<hbm>>) dst(%dma_wait3A_315 : memref<50x128xf32, #tpu.memory_space<vmem>>)
      %mul3A_324 = arith.constant 8 : i32
      %mul3A_325 = arith.muli %add3A_267, %mul3A_324 : i32
      %add3A_326 = arith.constant 3 : i32
      %add3A_327 = arith.addi %mul3A_325, %add3A_326 : i32
      %dma_wait3A_328 = arith.constant 0 : i32
      %dma_wait3A_329 = arith.constant 3 : i32
      %dma_wait3A_330 = arith.constant 0 : i32
      %dma_wait3A_331 = arith.constant 0 : i32
      %dma_wait3A_332 = arith.constant 0 : i32
      %dma_wait3A_333 = tpu.memref_slice %arg6[%dma_wait3A_328, %dma_wait3A_329, %dma_wait3A_331, %dma_wait3A_332] : memref<2x8x50x128xf32, #tpu.memory_space<vmem>> -> memref<1x1x50x128xf32, #tpu.memory_space<vmem>>
      %dma_wait3A_334 = tpu.memref_squeeze %dma_wait3A_333 : memref<1x1x50x128xf32, #tpu.memory_space<vmem>> -> memref<50x128xf32, #tpu.memory_space<vmem>>
      %dma_wait3A_335 = arith.constant 0 : i32
      %dma_wait3A_336 = tpu.memref_slice %arg5[%add3A_327, %dma_wait3A_335] : memref<128x50xi32, #tpu.memory_space<vmem>> -> memref<1x50xi32, #tpu.memory_space<vmem>>
      %dma_wait3A_337 = tpu.memref_squeeze %dma_wait3A_336 : memref<1x50xi32, #tpu.memory_space<vmem>> -> memref<50xi32, #tpu.memory_space<vmem>>
      %dma_wait3A_338 = arith.constant 0 : i32
      %dma_wait3A_339 = arith.constant 0 : i32
      %dma_wait3A_340 = tpu.memref_slice %arg2[%dma_wait3A_338, %dma_wait3A_339] : memref<100000x128xf32, #tpu.memory_space<hbm>> -> memref<100000x128xf32, #tpu.memory_space<hbm>>
      %dma_wait3A_341 = tpu.memref_slice %arg7[%dma_wait3A_330] : memref<2x!tpu.dma_semaphore, #tpu.memory_space<semaphore_mem>> -> memref<1x!tpu.dma_semaphore, #tpu.memory_space<semaphore_mem>>
      %dma_wait3A_342 = tpu.memref_squeeze %dma_wait3A_341 : memref<1x!tpu.dma_semaphore, #tpu.memory_space<semaphore_mem>> -> memref<!tpu.dma_semaphore, #tpu.memory_space<semaphore_mem>>
      tpu.wait_indirect_dma semaphore(%dma_wait3A_342 : memref<!tpu.dma_semaphore, #tpu.memory_space<semaphore_mem>>) src(%dma_wait3A_340 : memref<100000x128xf32, #tpu.memory_space<hbm>>) dst(%dma_wait3A_334 : memref<50x128xf32, #tpu.memory_space<vmem>>)
      %mul3A_343 = arith.constant 8 : i32
      %mul3A_344 = arith.muli %add3A_267, %mul3A_343 : i32
      %add3A_345 = arith.constant 4 : i32
      %add3A_346 = arith.addi %mul3A_344, %add3A_345 : i32
      %dma_wait3A_347 = arith.constant 0 : i32
      %dma_wait3A_348 = arith.constant 4 : i32
      %dma_wait3A_349 = arith.constant 0 : i32
      %dma_wait3A_350 = arith.constant 0 : i32
      %dma_wait3A_351 = arith.constant 0 : i32
      %dma_wait3A_352 = tpu.memref_slice %arg6[%dma_wait3A_347, %dma_wait3A_348, %dma_wait3A_350, %dma_wait3A_351] : memref<2x8x50x128xf32, #tpu.memory_space<vmem>> -> memref<1x1x50x128xf32, #tpu.memory_space<vmem>>
      %dma_wait3A_353 = tpu.memref_squeeze %dma_wait3A_352 : memref<1x1x50x128xf32, #tpu.memory_space<vmem>> -> memref<50x128xf32, #tpu.memory_space<vmem>>
      %dma_wait3A_354 = arith.constant 0 : i32
      %dma_wait3A_355 = tpu.memref_slice %arg5[%add3A_346, %dma_wait3A_354] : memref<128x50xi32, #tpu.memory_space<vmem>> -> memref<1x50xi32, #tpu.memory_space<vmem>>
      %dma_wait3A_356 = tpu.memref_squeeze %dma_wait3A_355 : memref<1x50xi32, #tpu.memory_space<vmem>> -> memref<50xi32, #tpu.memory_space<vmem>>
      %dma_wait3A_357 = arith.constant 0 : i32
      %dma_wait3A_358 = arith.constant 0 : i32
      %dma_wait3A_359 = tpu.memref_slice %arg2[%dma_wait3A_357, %dma_wait3A_358] : memref<100000x128xf32, #tpu.memory_space<hbm>> -> memref<100000x128xf32, #tpu.memory_space<hbm>>
      %dma_wait3A_360 = tpu.memref_slice %arg7[%dma_wait3A_349] : memref<2x!tpu.dma_semaphore, #tpu.memory_space<semaphore_mem>> -> memref<1x!tpu.dma_semaphore, #tpu.memory_space<semaphore_mem>>
      %dma_wait3A_361 = tpu.memref_squeeze %dma_wait3A_360 : memref<1x!tpu.dma_semaphore, #tpu.memory_space<semaphore_mem>> -> memref<!tpu.dma_semaphore, #tpu.memory_space<semaphore_mem>>
      tpu.wait_indirect_dma semaphore(%dma_wait3A_361 : memref<!tpu.dma_semaphore, #tpu.memory_space<semaphore_mem>>) src(%dma_wait3A_359 : memref<100000x128xf32, #tpu.memory_space<hbm>>) dst(%dma_wait3A_353 : memref<50x128xf32, #tpu.memory_space<vmem>>)
      %mul3A_362 = arith.constant 8 : i32
      %mul3A_363 = arith.muli %add3A_267, %mul3A_362 : i32
      %add3A_364 = arith.constant 5 : i32
      %add3A_365 = arith.addi %mul3A_363, %add3A_364 : i32
      %dma_wait3A_366 = arith.constant 0 : i32
      %dma_wait3A_367 = arith.constant 5 : i32
      %dma_wait3A_368 = arith.constant 0 : i32
      %dma_wait3A_369 = arith.constant 0 : i32
      %dma_wait3A_370 = arith.constant 0 : i32
      %dma_wait3A_371 = tpu.memref_slice %arg6[%dma_wait3A_366, %dma_wait3A_367, %dma_wait3A_369, %dma_wait3A_370] : memref<2x8x50x128xf32, #tpu.memory_space<vmem>> -> memref<1x1x50x128xf32, #tpu.memory_space<vmem>>
      %dma_wait3A_372 = tpu.memref_squeeze %dma_wait3A_371 : memref<1x1x50x128xf32, #tpu.memory_space<vmem>> -> memref<50x128xf32, #tpu.memory_space<vmem>>
      %dma_wait3A_373 = arith.constant 0 : i32
      %dma_wait3A_374 = tpu.memref_slice %arg5[%add3A_365, %dma_wait3A_373] : memref<128x50xi32, #tpu.memory_space<vmem>> -> memref<1x50xi32, #tpu.memory_space<vmem>>
      %dma_wait3A_375 = tpu.memref_squeeze %dma_wait3A_374 : memref<1x50xi32, #tpu.memory_space<vmem>> -> memref<50xi32, #tpu.memory_space<vmem>>
      %dma_wait3A_376 = arith.constant 0 : i32
      %dma_wait3A_377 = arith.constant 0 : i32
      %dma_wait3A_378 = tpu.memref_slice %arg2[%dma_wait3A_376, %dma_wait3A_377] : memref<100000x128xf32, #tpu.memory_space<hbm>> -> memref<100000x128xf32, #tpu.memory_space<hbm>>
      %dma_wait3A_379 = tpu.memref_slice %arg7[%dma_wait3A_368] : memref<2x!tpu.dma_semaphore, #tpu.memory_space<semaphore_mem>> -> memref<1x!tpu.dma_semaphore, #tpu.memory_space<semaphore_mem>>
      %dma_wait3A_380 = tpu.memref_squeeze %dma_wait3A_379 : memref<1x!tpu.dma_semaphore, #tpu.memory_space<semaphore_mem>> -> memref<!tpu.dma_semaphore, #tpu.memory_space<semaphore_mem>>
      tpu.wait_indirect_dma semaphore(%dma_wait3A_380 : memref<!tpu.dma_semaphore, #tpu.memory_space<semaphore_mem>>) src(%dma_wait3A_378 : memref<100000x128xf32, #tpu.memory_space<hbm>>) dst(%dma_wait3A_372 : memref<50x128xf32, #tpu.memory_space<vmem>>)
      %mul3A_381 = arith.constant 8 : i32
      %mul3A_382 = arith.muli %add3A_267, %mul3A_381 : i32
      %add3A_383 = arith.constant 6 : i32
      %add3A_384 = arith.addi %mul3A_382, %add3A_383 : i32
      %dma_wait3A_385 = arith.constant 0 : i32
      %dma_wait3A_386 = arith.constant 6 : i32
      %dma_wait3A_387 = arith.constant 0 : i32
      %dma_wait3A_388 = arith.constant 0 : i32
      %dma_wait3A_389 = arith.constant 0 : i32
      %dma_wait3A_390 = tpu.memref_slice %arg6[%dma_wait3A_385, %dma_wait3A_386, %dma_wait3A_388, %dma_wait3A_389] : memref<2x8x50x128xf32, #tpu.memory_space<vmem>> -> memref<1x1x50x128xf32, #tpu.memory_space<vmem>>
      %dma_wait3A_391 = tpu.memref_squeeze %dma_wait3A_390 : memref<1x1x50x128xf32, #tpu.memory_space<vmem>> -> memref<50x128xf32, #tpu.memory_space<vmem>>
      %dma_wait3A_392 = arith.constant 0 : i32
      %dma_wait3A_393 = tpu.memref_slice %arg5[%add3A_384, %dma_wait3A_392] : memref<128x50xi32, #tpu.memory_space<vmem>> -> memref<1x50xi32, #tpu.memory_space<vmem>>
      %dma_wait3A_394 = tpu.memref_squeeze %dma_wait3A_393 : memref<1x50xi32, #tpu.memory_space<vmem>> -> memref<50xi32, #tpu.memory_space<vmem>>
      %dma_wait3A_395 = arith.constant 0 : i32
      %dma_wait3A_396 = arith.constant 0 : i32
      %dma_wait3A_397 = tpu.memref_slice %arg2[%dma_wait3A_395, %dma_wait3A_396] : memref<100000x128xf32, #tpu.memory_space<hbm>> -> memref<100000x128xf32, #tpu.memory_space<hbm>>
      %dma_wait3A_398 = tpu.memref_slice %arg7[%dma_wait3A_387] : memref<2x!tpu.dma_semaphore, #tpu.memory_space<semaphore_mem>> -> memref<1x!tpu.dma_semaphore, #tpu.memory_space<semaphore_mem>>
      %dma_wait3A_399 = tpu.memref_squeeze %dma_wait3A_398 : memref<1x!tpu.dma_semaphore, #tpu.memory_space<semaphore_mem>> -> memref<!tpu.dma_semaphore, #tpu.memory_space<semaphore_mem>>
      tpu.wait_indirect_dma semaphore(%dma_wait3A_399 : memref<!tpu.dma_semaphore, #tpu.memory_space<semaphore_mem>>) src(%dma_wait3A_397 : memref<100000x128xf32, #tpu.memory_space<hbm>>) dst(%dma_wait3A_391 : memref<50x128xf32, #tpu.memory_space<vmem>>)
      %mul3A_400 = arith.constant 8 : i32
      %mul3A_401 = arith.muli %add3A_267, %mul3A_400 : i32
      %add3A_402 = arith.constant 7 : i32
      %add3A_403 = arith.addi %mul3A_401, %add3A_402 : i32
      %dma_wait3A_404 = arith.constant 0 : i32
      %dma_wait3A_405 = arith.constant 7 : i32
      %dma_wait3A_406 = arith.constant 0 : i32
      %dma_wait3A_407 = arith.constant 0 : i32
      %dma_wait3A_408 = arith.constant 0 : i32
      %dma_wait3A_409 = tpu.memref_slice %arg6[%dma_wait3A_404, %dma_wait3A_405, %dma_wait3A_407, %dma_wait3A_408] : memref<2x8x50x128xf32, #tpu.memory_space<vmem>> -> memref<1x1x50x128xf32, #tpu.memory_space<vmem>>
      %dma_wait3A_410 = tpu.memref_squeeze %dma_wait3A_409 : memref<1x1x50x128xf32, #tpu.memory_space<vmem>> -> memref<50x128xf32, #tpu.memory_space<vmem>>
      %dma_wait3A_411 = arith.constant 0 : i32
      %dma_wait3A_412 = tpu.memref_slice %arg5[%add3A_403, %dma_wait3A_411] : memref<128x50xi32, #tpu.memory_space<vmem>> -> memref<1x50xi32, #tpu.memory_space<vmem>>
      %dma_wait3A_413 = tpu.memref_squeeze %dma_wait3A_412 : memref<1x50xi32, #tpu.memory_space<vmem>> -> memref<50xi32, #tpu.memory_space<vmem>>
      %dma_wait3A_414 = arith.constant 0 : i32
      %dma_wait3A_415 = arith.constant 0 : i32
      %dma_wait3A_416 = tpu.memref_slice %arg2[%dma_wait3A_414, %dma_wait3A_415] : memref<100000x128xf32, #tpu.memory_space<hbm>> -> memref<100000x128xf32, #tpu.memory_space<hbm>>
      %dma_wait3A_417 = tpu.memref_slice %arg7[%dma_wait3A_406] : memref<2x!tpu.dma_semaphore, #tpu.memory_space<semaphore_mem>> -> memref<1x!tpu.dma_semaphore, #tpu.memory_space<semaphore_mem>>
      %dma_wait3A_418 = tpu.memref_squeeze %dma_wait3A_417 : memref<1x!tpu.dma_semaphore, #tpu.memory_space<semaphore_mem>> -> memref<!tpu.dma_semaphore, #tpu.memory_space<semaphore_mem>>
      tpu.wait_indirect_dma semaphore(%dma_wait3A_418 : memref<!tpu.dma_semaphore, #tpu.memory_space<semaphore_mem>>) src(%dma_wait3A_416 : memref<100000x128xf32, #tpu.memory_space<hbm>>) dst(%dma_wait3A_410 : memref<50x128xf32, #tpu.memory_space<vmem>>)
      %mul3A_419 = arith.constant 8 : i32
      %mul3A_420 = arith.muli %add3A_267, %mul3A_419 : i32
      %add3A_421 = arith.addi %mul3A_2, %mul3A_420 : i32
      %run_scoped3A = arith.constant 0 : i32
      "tpu.region"() ({
        %run_scoped3A_589 = tpu.sem_alloc : memref<!tpu.dma_semaphore, #tpu.memory_space<semaphore_mem>>
        %dma_start3A_590 = arith.constant 0 : i32
        %dma_start3A_591 = arith.constant 0 : i32
        %dma_start3A_592 = arith.constant 0 : i32
        %dma_start3A_593 = tpu.memref_slice %arg6[%run_scoped3A, %dma_start3A_590, %dma_start3A_591, %dma_start3A_592] : memref<2x8x50x128xf32, #tpu.memory_space<vmem>> -> memref<1x8x50x128xf32, #tpu.memory_space<vmem>>
        %dma_start3A_594 = tpu.memref_squeeze %dma_start3A_593 : memref<1x8x50x128xf32, #tpu.memory_space<vmem>> -> memref<8x50x128xf32, #tpu.memory_space<vmem>>
        %dma_start3A_595 = arith.constant 0 : i32
        %dma_start3A_596 = arith.constant 0 : i32
        %dma_start3A_597 = tpu.memref_slice %arg4[%add3A_421, %dma_start3A_595, %dma_start3A_596] : memref<4096x50x128xf32, #tpu.memory_space<hbm>> -> memref<8x50x128xf32, #tpu.memory_space<hbm>>
        %dma_start3A_598 = arith.constant 0 : i32
        %dma_start3A_599 = arith.constant 0 : i32
        %dma_start3A_600 = tpu.memref_slice %arg4[%add3A_421, %dma_start3A_598, %dma_start3A_599] : memref<4096x50x128xf32, #tpu.memory_space<hbm>> -> memref<8x50x128xf32, #tpu.memory_space<hbm>>
        %dma_start3A_601 = arith.constant 0 : i32
        %dma_start3A_602 = arith.constant 0 : i32
        %dma_start3A_603 = arith.constant 0 : i32
        %dma_start3A_604 = tpu.memref_slice %arg6[%run_scoped3A, %dma_start3A_601, %dma_start3A_602, %dma_start3A_603] : memref<2x8x50x128xf32, #tpu.memory_space<vmem>> -> memref<1x8x50x128xf32, #tpu.memory_space<vmem>>
        %dma_start3A_605 = tpu.memref_squeeze %dma_start3A_604 : memref<1x8x50x128xf32, #tpu.memory_space<vmem>> -> memref<8x50x128xf32, #tpu.memory_space<vmem>>
        tpu.enqueue_dma source(%dma_start3A_605 : memref<8x50x128xf32, #tpu.memory_space<vmem>>) target(%dma_start3A_600 : memref<8x50x128xf32, #tpu.memory_space<hbm>>) target_semaphore(%run_scoped3A_589 : memref<!tpu.dma_semaphore, #tpu.memory_space<semaphore_mem>>)
        %dma_wait3A_606 = arith.constant 0 : i32
        %dma_wait3A_607 = arith.constant 0 : i32
        %dma_wait3A_608 = arith.constant 0 : i32
        %dma_wait3A_609 = tpu.memref_slice %arg6[%run_scoped3A, %dma_wait3A_606, %dma_wait3A_607, %dma_wait3A_608] : memref<2x8x50x128xf32, #tpu.memory_space<vmem>> -> memref<1x8x50x128xf32, #tpu.memory_space<vmem>>
        %dma_wait3A_610 = tpu.memref_squeeze %dma_wait3A_609 : memref<1x8x50x128xf32, #tpu.memory_space<vmem>> -> memref<8x50x128xf32, #tpu.memory_space<vmem>>
        %dma_wait3A_611 = arith.constant 0 : i32
        %dma_wait3A_612 = arith.constant 0 : i32
        %dma_wait3A_613 = tpu.memref_slice %arg4[%add3A_421, %dma_wait3A_611, %dma_wait3A_612] : memref<4096x50x128xf32, #tpu.memory_space<hbm>> -> memref<8x50x128xf32, #tpu.memory_space<hbm>>
        %dma_wait3A_614 = arith.constant 0 : i32
        %dma_wait3A_615 = arith.constant 0 : i32
        %dma_wait3A_616 = tpu.memref_slice %arg4[%add3A_421, %dma_wait3A_614, %dma_wait3A_615] : memref<4096x50x128xf32, #tpu.memory_space<hbm>> -> memref<8x50x128xf32, #tpu.memory_space<hbm>>
        %dma_wait3A_617 = arith.constant 0 : i32
        %dma_wait3A_618 = arith.constant 0 : i32
        %dma_wait3A_619 = arith.constant 0 : i32
        %dma_wait3A_620 = tpu.memref_slice %arg6[%run_scoped3A, %dma_wait3A_617, %dma_wait3A_618, %dma_wait3A_619] : memref<2x8x50x128xf32, #tpu.memory_space<vmem>> -> memref<1x8x50x128xf32, #tpu.memory_space<vmem>>
        %dma_wait3A_621 = tpu.memref_squeeze %dma_wait3A_620 : memref<1x8x50x128xf32, #tpu.memory_space<vmem>> -> memref<8x50x128xf32, #tpu.memory_space<vmem>>
        tpu.wait_dma2 semaphore(%run_scoped3A_589 : memref<!tpu.dma_semaphore, #tpu.memory_space<semaphore_mem>>) src(%dma_wait3A_621 : memref<8x50x128xf32, #tpu.memory_space<vmem>>) dst(%dma_wait3A_616 : memref<8x50x128xf32, #tpu.memory_space<hbm>>)
        tpu.yield
      }) : () -> ()
      %lt3A = arith.constant 7 : i32
      %lt3A_422 = arith.cmpi slt, %scan3A_263, %lt3A : i32
      %convert_element_type3A = arith.extui %lt3A_422 : i1 to i32
      %cond3A = arith.constant 0 : i32
      %cond3A_423 = arith.cmpi ne, %convert_element_type3A, %cond3A : i32
      scf.if %cond3A_423 {
        %add3A_589 = arith.constant 2 : i32
        %add3A_590 = arith.addi %add3A_267, %add3A_589 : i32
        %mul3A_591 = arith.constant 8 : i32
        %mul3A_592 = arith.muli %add3A_590, %mul3A_591 : i32
        %add3A_593 = arith.constant 0 : i32
        %add3A_594 = arith.addi %mul3A_592, %add3A_593 : i32
        %dma_start3A_595 = arith.constant 0 : i32
        %dma_start3A_596 = arith.constant 0 : i32
        %dma_start3A_597 = arith.constant 0 : i32
        %dma_start3A_598 = arith.constant 0 : i32
        %dma_start3A_599 = arith.constant 0 : i32
        %dma_start3A_600 = tpu.memref_slice %arg6[%dma_start3A_595, %dma_start3A_596, %dma_start3A_598, %dma_start3A_599] : memref<2x8x50x128xf32, #tpu.memory_space<vmem>> -> memref<1x1x50x128xf32, #tpu.memory_space<vmem>>
        %dma_start3A_601 = tpu.memref_squeeze %dma_start3A_600 : memref<1x1x50x128xf32, #tpu.memory_space<vmem>> -> memref<50x128xf32, #tpu.memory_space<vmem>>
        %dma_start3A_602 = arith.constant 0 : i32
        %dma_start3A_603 = tpu.memref_slice %arg5[%add3A_594, %dma_start3A_602] : memref<128x50xi32, #tpu.memory_space<vmem>> -> memref<1x50xi32, #tpu.memory_space<vmem>>
        %dma_start3A_604 = tpu.memref_squeeze %dma_start3A_603 : memref<1x50xi32, #tpu.memory_space<vmem>> -> memref<50xi32, #tpu.memory_space<vmem>>
        %dma_start3A_605 = arith.constant 0 : i32
        %dma_start3A_606 = arith.constant 0 : i32
        %dma_start3A_607 = tpu.memref_slice %arg2[%dma_start3A_605, %dma_start3A_606] : memref<100000x128xf32, #tpu.memory_space<hbm>> -> memref<100000x128xf32, #tpu.memory_space<hbm>>
        %dma_start3A_608 = tpu.memref_slice %arg7[%dma_start3A_597] : memref<2x!tpu.dma_semaphore, #tpu.memory_space<semaphore_mem>> -> memref<1x!tpu.dma_semaphore, #tpu.memory_space<semaphore_mem>>
        %dma_start3A_609 = tpu.memref_squeeze %dma_start3A_608 : memref<1x!tpu.dma_semaphore, #tpu.memory_space<semaphore_mem>> -> memref<!tpu.dma_semaphore, #tpu.memory_space<semaphore_mem>>
        tpu.enqueue_indirect_dma source(%dma_start3A_607 : memref<100000x128xf32, #tpu.memory_space<hbm>>) target(%dma_start3A_601 : memref<50x128xf32, #tpu.memory_space<vmem>>) offsets(%dma_start3A_604 : memref<50xi32, #tpu.memory_space<vmem>>) semaphore(%dma_start3A_609 : memref<!tpu.dma_semaphore, #tpu.memory_space<semaphore_mem>>)
        %mul3A_610 = arith.constant 8 : i32
        %mul3A_611 = arith.muli %add3A_590, %mul3A_610 : i32
        %add3A_612 = arith.constant 1 : i32
        %add3A_613 = arith.addi %mul3A_611, %add3A_612 : i32
        %dma_start3A_614 = arith.constant 0 : i32
        %dma_start3A_615 = arith.constant 1 : i32
        %dma_start3A_616 = arith.constant 0 : i32
        %dma_start3A_617 = arith.constant 0 : i32
        %dma_start3A_618 = arith.constant 0 : i32
        %dma_start3A_619 = tpu.memref_slice %arg6[%dma_start3A_614, %dma_start3A_615, %dma_start3A_617, %dma_start3A_618] : memref<2x8x50x128xf32, #tpu.memory_space<vmem>> -> memref<1x1x50x128xf32, #tpu.memory_space<vmem>>
        %dma_start3A_620 = tpu.memref_squeeze %dma_start3A_619 : memref<1x1x50x128xf32, #tpu.memory_space<vmem>> -> memref<50x128xf32, #tpu.memory_space<vmem>>
        %dma_start3A_621 = arith.constant 0 : i32
        %dma_start3A_622 = tpu.memref_slice %arg5[%add3A_613, %dma_start3A_621] : memref<128x50xi32, #tpu.memory_space<vmem>> -> memref<1x50xi32, #tpu.memory_space<vmem>>
        %dma_start3A_623 = tpu.memref_squeeze %dma_start3A_622 : memref<1x50xi32, #tpu.memory_space<vmem>> -> memref<50xi32, #tpu.memory_space<vmem>>
        %dma_start3A_624 = arith.constant 0 : i32
        %dma_start3A_625 = arith.constant 0 : i32
        %dma_start3A_626 = tpu.memref_slice %arg2[%dma_start3A_624, %dma_start3A_625] : memref<100000x128xf32, #tpu.memory_space<hbm>> -> memref<100000x128xf32, #tpu.memory_space<hbm>>
        %dma_start3A_627 = tpu.memref_slice %arg7[%dma_start3A_616] : memref<2x!tpu.dma_semaphore, #tpu.memory_space<semaphore_mem>> -> memref<1x!tpu.dma_semaphore, #tpu.memory_space<semaphore_mem>>
        %dma_start3A_628 = tpu.memref_squeeze %dma_start3A_627 : memref<1x!tpu.dma_semaphore, #tpu.memory_space<semaphore_mem>> -> memref<!tpu.dma_semaphore, #tpu.memory_space<semaphore_mem>>
        tpu.enqueue_indirect_dma source(%dma_start3A_626 : memref<100000x128xf32, #tpu.memory_space<hbm>>) target(%dma_start3A_620 : memref<50x128xf32, #tpu.memory_space<vmem>>) offsets(%dma_start3A_623 : memref<50xi32, #tpu.memory_space<vmem>>) semaphore(%dma_start3A_628 : memref<!tpu.dma_semaphore, #tpu.memory_space<semaphore_mem>>)
        %mul3A_629 = arith.constant 8 : i32
        %mul3A_630 = arith.muli %add3A_590, %mul3A_629 : i32
        %add3A_631 = arith.constant 2 : i32
        %add3A_632 = arith.addi %mul3A_630, %add3A_631 : i32
        %dma_start3A_633 = arith.constant 0 : i32
        %dma_start3A_634 = arith.constant 2 : i32
        %dma_start3A_635 = arith.constant 0 : i32
        %dma_start3A_636 = arith.constant 0 : i32
        %dma_start3A_637 = arith.constant 0 : i32
        %dma_start3A_638 = tpu.memref_slice %arg6[%dma_start3A_633, %dma_start3A_634, %dma_start3A_636, %dma_start3A_637] : memref<2x8x50x128xf32, #tpu.memory_space<vmem>> -> memref<1x1x50x128xf32, #tpu.memory_space<vmem>>
        %dma_start3A_639 = tpu.memref_squeeze %dma_start3A_638 : memref<1x1x50x128xf32, #tpu.memory_space<vmem>> -> memref<50x128xf32, #tpu.memory_space<vmem>>
        %dma_start3A_640 = arith.constant 0 : i32
        %dma_start3A_641 = tpu.memref_slice %arg5[%add3A_632, %dma_start3A_640] : memref<128x50xi32, #tpu.memory_space<vmem>> -> memref<1x50xi32, #tpu.memory_space<vmem>>
        %dma_start3A_642 = tpu.memref_squeeze %dma_start3A_641 : memref<1x50xi32, #tpu.memory_space<vmem>> -> memref<50xi32, #tpu.memory_space<vmem>>
        %dma_start3A_643 = arith.constant 0 : i32
        %dma_start3A_644 = arith.constant 0 : i32
        %dma_start3A_645 = tpu.memref_slice %arg2[%dma_start3A_643, %dma_start3A_644] : memref<100000x128xf32, #tpu.memory_space<hbm>> -> memref<100000x128xf32, #tpu.memory_space<hbm>>
        %dma_start3A_646 = tpu.memref_slice %arg7[%dma_start3A_635] : memref<2x!tpu.dma_semaphore, #tpu.memory_space<semaphore_mem>> -> memref<1x!tpu.dma_semaphore, #tpu.memory_space<semaphore_mem>>
        %dma_start3A_647 = tpu.memref_squeeze %dma_start3A_646 : memref<1x!tpu.dma_semaphore, #tpu.memory_space<semaphore_mem>> -> memref<!tpu.dma_semaphore, #tpu.memory_space<semaphore_mem>>
        tpu.enqueue_indirect_dma source(%dma_start3A_645 : memref<100000x128xf32, #tpu.memory_space<hbm>>) target(%dma_start3A_639 : memref<50x128xf32, #tpu.memory_space<vmem>>) offsets(%dma_start3A_642 : memref<50xi32, #tpu.memory_space<vmem>>) semaphore(%dma_start3A_647 : memref<!tpu.dma_semaphore, #tpu.memory_space<semaphore_mem>>)
        %mul3A_648 = arith.constant 8 : i32
        %mul3A_649 = arith.muli %add3A_590, %mul3A_648 : i32
        %add3A_650 = arith.constant 3 : i32
        %add3A_651 = arith.addi %mul3A_649, %add3A_650 : i32
        %dma_start3A_652 = arith.constant 0 : i32
        %dma_start3A_653 = arith.constant 3 : i32
        %dma_start3A_654 = arith.constant 0 : i32
        %dma_start3A_655 = arith.constant 0 : i32
        %dma_start3A_656 = arith.constant 0 : i32
        %dma_start3A_657 = tpu.memref_slice %arg6[%dma_start3A_652, %dma_start3A_653, %dma_start3A_655, %dma_start3A_656] : memref<2x8x50x128xf32, #tpu.memory_space<vmem>> -> memref<1x1x50x128xf32, #tpu.memory_space<vmem>>
        %dma_start3A_658 = tpu.memref_squeeze %dma_start3A_657 : memref<1x1x50x128xf32, #tpu.memory_space<vmem>> -> memref<50x128xf32, #tpu.memory_space<vmem>>
        %dma_start3A_659 = arith.constant 0 : i32
        %dma_start3A_660 = tpu.memref_slice %arg5[%add3A_651, %dma_start3A_659] : memref<128x50xi32, #tpu.memory_space<vmem>> -> memref<1x50xi32, #tpu.memory_space<vmem>>
        %dma_start3A_661 = tpu.memref_squeeze %dma_start3A_660 : memref<1x50xi32, #tpu.memory_space<vmem>> -> memref<50xi32, #tpu.memory_space<vmem>>
        %dma_start3A_662 = arith.constant 0 : i32
        %dma_start3A_663 = arith.constant 0 : i32
        %dma_start3A_664 = tpu.memref_slice %arg2[%dma_start3A_662, %dma_start3A_663] : memref<100000x128xf32, #tpu.memory_space<hbm>> -> memref<100000x128xf32, #tpu.memory_space<hbm>>
        %dma_start3A_665 = tpu.memref_slice %arg7[%dma_start3A_654] : memref<2x!tpu.dma_semaphore, #tpu.memory_space<semaphore_mem>> -> memref<1x!tpu.dma_semaphore, #tpu.memory_space<semaphore_mem>>
        %dma_start3A_666 = tpu.memref_squeeze %dma_start3A_665 : memref<1x!tpu.dma_semaphore, #tpu.memory_space<semaphore_mem>> -> memref<!tpu.dma_semaphore, #tpu.memory_space<semaphore_mem>>
        tpu.enqueue_indirect_dma source(%dma_start3A_664 : memref<100000x128xf32, #tpu.memory_space<hbm>>) target(%dma_start3A_658 : memref<50x128xf32, #tpu.memory_space<vmem>>) offsets(%dma_start3A_661 : memref<50xi32, #tpu.memory_space<vmem>>) semaphore(%dma_start3A_666 : memref<!tpu.dma_semaphore, #tpu.memory_space<semaphore_mem>>)
        %mul3A_667 = arith.constant 8 : i32
        %mul3A_668 = arith.muli %add3A_590, %mul3A_667 : i32
        %add3A_669 = arith.constant 4 : i32
        %add3A_670 = arith.addi %mul3A_668, %add3A_669 : i32
        %dma_start3A_671 = arith.constant 0 : i32
        %dma_start3A_672 = arith.constant 4 : i32
        %dma_start3A_673 = arith.constant 0 : i32
        %dma_start3A_674 = arith.constant 0 : i32
        %dma_start3A_675 = arith.constant 0 : i32
        %dma_start3A_676 = tpu.memref_slice %arg6[%dma_start3A_671, %dma_start3A_672, %dma_start3A_674, %dma_start3A_675] : memref<2x8x50x128xf32, #tpu.memory_space<vmem>> -> memref<1x1x50x128xf32, #tpu.memory_space<vmem>>
        %dma_start3A_677 = tpu.memref_squeeze %dma_start3A_676 : memref<1x1x50x128xf32, #tpu.memory_space<vmem>> -> memref<50x128xf32, #tpu.memory_space<vmem>>
        %dma_start3A_678 = arith.constant 0 : i32
        %dma_start3A_679 = tpu.memref_slice %arg5[%add3A_670, %dma_start3A_678] : memref<128x50xi32, #tpu.memory_space<vmem>> -> memref<1x50xi32, #tpu.memory_space<vmem>>
        %dma_start3A_680 = tpu.memref_squeeze %dma_start3A_679 : memref<1x50xi32, #tpu.memory_space<vmem>> -> memref<50xi32, #tpu.memory_space<vmem>>
        %dma_start3A_681 = arith.constant 0 : i32
        %dma_start3A_682 = arith.constant 0 : i32
        %dma_start3A_683 = tpu.memref_slice %arg2[%dma_start3A_681, %dma_start3A_682] : memref<100000x128xf32, #tpu.memory_space<hbm>> -> memref<100000x128xf32, #tpu.memory_space<hbm>>
        %dma_start3A_684 = tpu.memref_slice %arg7[%dma_start3A_673] : memref<2x!tpu.dma_semaphore, #tpu.memory_space<semaphore_mem>> -> memref<1x!tpu.dma_semaphore, #tpu.memory_space<semaphore_mem>>
        %dma_start3A_685 = tpu.memref_squeeze %dma_start3A_684 : memref<1x!tpu.dma_semaphore, #tpu.memory_space<semaphore_mem>> -> memref<!tpu.dma_semaphore, #tpu.memory_space<semaphore_mem>>
        tpu.enqueue_indirect_dma source(%dma_start3A_683 : memref<100000x128xf32, #tpu.memory_space<hbm>>) target(%dma_start3A_677 : memref<50x128xf32, #tpu.memory_space<vmem>>) offsets(%dma_start3A_680 : memref<50xi32, #tpu.memory_space<vmem>>) semaphore(%dma_start3A_685 : memref<!tpu.dma_semaphore, #tpu.memory_space<semaphore_mem>>)
        %mul3A_686 = arith.constant 8 : i32
        %mul3A_687 = arith.muli %add3A_590, %mul3A_686 : i32
        %add3A_688 = arith.constant 5 : i32
        %add3A_689 = arith.addi %mul3A_687, %add3A_688 : i32
        %dma_start3A_690 = arith.constant 0 : i32
        %dma_start3A_691 = arith.constant 5 : i32
        %dma_start3A_692 = arith.constant 0 : i32
        %dma_start3A_693 = arith.constant 0 : i32
        %dma_start3A_694 = arith.constant 0 : i32
        %dma_start3A_695 = tpu.memref_slice %arg6[%dma_start3A_690, %dma_start3A_691, %dma_start3A_693, %dma_start3A_694] : memref<2x8x50x128xf32, #tpu.memory_space<vmem>> -> memref<1x1x50x128xf32, #tpu.memory_space<vmem>>
        %dma_start3A_696 = tpu.memref_squeeze %dma_start3A_695 : memref<1x1x50x128xf32, #tpu.memory_space<vmem>> -> memref<50x128xf32, #tpu.memory_space<vmem>>
        %dma_start3A_697 = arith.constant 0 : i32
        %dma_start3A_698 = tpu.memref_slice %arg5[%add3A_689, %dma_start3A_697] : memref<128x50xi32, #tpu.memory_space<vmem>> -> memref<1x50xi32, #tpu.memory_space<vmem>>
        %dma_start3A_699 = tpu.memref_squeeze %dma_start3A_698 : memref<1x50xi32, #tpu.memory_space<vmem>> -> memref<50xi32, #tpu.memory_space<vmem>>
        %dma_start3A_700 = arith.constant 0 : i32
        %dma_start3A_701 = arith.constant 0 : i32
        %dma_start3A_702 = tpu.memref_slice %arg2[%dma_start3A_700, %dma_start3A_701] : memref<100000x128xf32, #tpu.memory_space<hbm>> -> memref<100000x128xf32, #tpu.memory_space<hbm>>
        %dma_start3A_703 = tpu.memref_slice %arg7[%dma_start3A_692] : memref<2x!tpu.dma_semaphore, #tpu.memory_space<semaphore_mem>> -> memref<1x!tpu.dma_semaphore, #tpu.memory_space<semaphore_mem>>
        %dma_start3A_704 = tpu.memref_squeeze %dma_start3A_703 : memref<1x!tpu.dma_semaphore, #tpu.memory_space<semaphore_mem>> -> memref<!tpu.dma_semaphore, #tpu.memory_space<semaphore_mem>>
        tpu.enqueue_indirect_dma source(%dma_start3A_702 : memref<100000x128xf32, #tpu.memory_space<hbm>>) target(%dma_start3A_696 : memref<50x128xf32, #tpu.memory_space<vmem>>) offsets(%dma_start3A_699 : memref<50xi32, #tpu.memory_space<vmem>>) semaphore(%dma_start3A_704 : memref<!tpu.dma_semaphore, #tpu.memory_space<semaphore_mem>>)
        %mul3A_705 = arith.constant 8 : i32
        %mul3A_706 = arith.muli %add3A_590, %mul3A_705 : i32
        %add3A_707 = arith.constant 6 : i32
        %add3A_708 = arith.addi %mul3A_706, %add3A_707 : i32
        %dma_start3A_709 = arith.constant 0 : i32
        %dma_start3A_710 = arith.constant 6 : i32
        %dma_start3A_711 = arith.constant 0 : i32
        %dma_start3A_712 = arith.constant 0 : i32
        %dma_start3A_713 = arith.constant 0 : i32
        %dma_start3A_714 = tpu.memref_slice %arg6[%dma_start3A_709, %dma_start3A_710, %dma_start3A_712, %dma_start3A_713] : memref<2x8x50x128xf32, #tpu.memory_space<vmem>> -> memref<1x1x50x128xf32, #tpu.memory_space<vmem>>
        %dma_start3A_715 = tpu.memref_squeeze %dma_start3A_714 : memref<1x1x50x128xf32, #tpu.memory_space<vmem>> -> memref<50x128xf32, #tpu.memory_space<vmem>>
        %dma_start3A_716 = arith.constant 0 : i32
        %dma_start3A_717 = tpu.memref_slice %arg5[%add3A_708, %dma_start3A_716] : memref<128x50xi32, #tpu.memory_space<vmem>> -> memref<1x50xi32, #tpu.memory_space<vmem>>
        %dma_start3A_718 = tpu.memref_squeeze %dma_start3A_717 : memref<1x50xi32, #tpu.memory_space<vmem>> -> memref<50xi32, #tpu.memory_space<vmem>>
        %dma_start3A_719 = arith.constant 0 : i32
        %dma_start3A_720 = arith.constant 0 : i32
        %dma_start3A_721 = tpu.memref_slice %arg2[%dma_start3A_719, %dma_start3A_720] : memref<100000x128xf32, #tpu.memory_space<hbm>> -> memref<100000x128xf32, #tpu.memory_space<hbm>>
        %dma_start3A_722 = tpu.memref_slice %arg7[%dma_start3A_711] : memref<2x!tpu.dma_semaphore, #tpu.memory_space<semaphore_mem>> -> memref<1x!tpu.dma_semaphore, #tpu.memory_space<semaphore_mem>>
        %dma_start3A_723 = tpu.memref_squeeze %dma_start3A_722 : memref<1x!tpu.dma_semaphore, #tpu.memory_space<semaphore_mem>> -> memref<!tpu.dma_semaphore, #tpu.memory_space<semaphore_mem>>
        tpu.enqueue_indirect_dma source(%dma_start3A_721 : memref<100000x128xf32, #tpu.memory_space<hbm>>) target(%dma_start3A_715 : memref<50x128xf32, #tpu.memory_space<vmem>>) offsets(%dma_start3A_718 : memref<50xi32, #tpu.memory_space<vmem>>) semaphore(%dma_start3A_723 : memref<!tpu.dma_semaphore, #tpu.memory_space<semaphore_mem>>)
        %mul3A_724 = arith.constant 8 : i32
        %mul3A_725 = arith.muli %add3A_590, %mul3A_724 : i32
        %add3A_726 = arith.constant 7 : i32
        %add3A_727 = arith.addi %mul3A_725, %add3A_726 : i32
        %dma_start3A_728 = arith.constant 0 : i32
        %dma_start3A_729 = arith.constant 7 : i32
        %dma_start3A_730 = arith.constant 0 : i32
        %dma_start3A_731 = arith.constant 0 : i32
        %dma_start3A_732 = arith.constant 0 : i32
        %dma_start3A_733 = tpu.memref_slice %arg6[%dma_start3A_728, %dma_start3A_729, %dma_start3A_731, %dma_start3A_732] : memref<2x8x50x128xf32, #tpu.memory_space<vmem>> -> memref<1x1x50x128xf32, #tpu.memory_space<vmem>>
        %dma_start3A_734 = tpu.memref_squeeze %dma_start3A_733 : memref<1x1x50x128xf32, #tpu.memory_space<vmem>> -> memref<50x128xf32, #tpu.memory_space<vmem>>
        %dma_start3A_735 = arith.constant 0 : i32
        %dma_start3A_736 = tpu.memref_slice %arg5[%add3A_727, %dma_start3A_735] : memref<128x50xi32, #tpu.memory_space<vmem>> -> memref<1x50xi32, #tpu.memory_space<vmem>>
        %dma_start3A_737 = tpu.memref_squeeze %dma_start3A_736 : memref<1x50xi32, #tpu.memory_space<vmem>> -> memref<50xi32, #tpu.memory_space<vmem>>
        %dma_start3A_738 = arith.constant 0 : i32
        %dma_start3A_739 = arith.constant 0 : i32
        %dma_start3A_740 = tpu.memref_slice %arg2[%dma_start3A_738, %dma_start3A_739] : memref<100000x128xf32, #tpu.memory_space<hbm>> -> memref<100000x128xf32, #tpu.memory_space<hbm>>
        %dma_start3A_741 = tpu.memref_slice %arg7[%dma_start3A_730] : memref<2x!tpu.dma_semaphore, #tpu.memory_space<semaphore_mem>> -> memref<1x!tpu.dma_semaphore, #tpu.memory_space<semaphore_mem>>
        %dma_start3A_742 = tpu.memref_squeeze %dma_start3A_741 : memref<1x!tpu.dma_semaphore, #tpu.memory_space<semaphore_mem>> -> memref<!tpu.dma_semaphore, #tpu.memory_space<semaphore_mem>>
        tpu.enqueue_indirect_dma source(%dma_start3A_740 : memref<100000x128xf32, #tpu.memory_space<hbm>>) target(%dma_start3A_734 : memref<50x128xf32, #tpu.memory_space<vmem>>) offsets(%dma_start3A_737 : memref<50xi32, #tpu.memory_space<vmem>>) semaphore(%dma_start3A_742 : memref<!tpu.dma_semaphore, #tpu.memory_space<semaphore_mem>>)
      } else {
      }
      %mul3A_424 = arith.constant 2 : i32
      %mul3A_425 = arith.muli %scan3A_263, %mul3A_424 : i32
      %add3A_426 = arith.constant 1 : i32
      %add3A_427 = arith.addi %mul3A_425, %add3A_426 : i32
      %mul3A_428 = arith.constant 8 : i32
      %mul3A_429 = arith.muli %add3A_427, %mul3A_428 : i32
      %add3A_430 = arith.constant 0 : i32
      %add3A_431 = arith.addi %mul3A_429, %add3A_430 : i32
      %dma_wait3A_432 = arith.constant 1 : i32
      %dma_wait3A_433 = arith.constant 0 : i32
      %dma_wait3A_434 = arith.constant 1 : i32
      %dma_wait3A_435 = arith.constant 0 : i32
      %dma_wait3A_436 = arith.constant 0 : i32
      %dma_wait3A_437 = tpu.memref_slice %arg6[%dma_wait3A_432, %dma_wait3A_433, %dma_wait3A_435, %dma_wait3A_436] : memref<2x8x50x128xf32, #tpu.memory_space<vmem>> -> memref<1x1x50x128xf32, #tpu.memory_space<vmem>>
      %dma_wait3A_438 = tpu.memref_squeeze %dma_wait3A_437 : memref<1x1x50x128xf32, #tpu.memory_space<vmem>> -> memref<50x128xf32, #tpu.memory_space<vmem>>
      %dma_wait3A_439 = arith.constant 0 : i32
      %dma_wait3A_440 = tpu.memref_slice %arg5[%add3A_431, %dma_wait3A_439] : memref<128x50xi32, #tpu.memory_space<vmem>> -> memref<1x50xi32, #tpu.memory_space<vmem>>
      %dma_wait3A_441 = tpu.memref_squeeze %dma_wait3A_440 : memref<1x50xi32, #tpu.memory_space<vmem>> -> memref<50xi32, #tpu.memory_space<vmem>>
      %dma_wait3A_442 = arith.constant 0 : i32
      %dma_wait3A_443 = arith.constant 0 : i32
      %dma_wait3A_444 = tpu.memref_slice %arg2[%dma_wait3A_442, %dma_wait3A_443] : memref<100000x128xf32, #tpu.memory_space<hbm>> -> memref<100000x128xf32, #tpu.memory_space<hbm>>
      %dma_wait3A_445 = tpu.memref_slice %arg7[%dma_wait3A_434] : memref<2x!tpu.dma_semaphore, #tpu.memory_space<semaphore_mem>> -> memref<1x!tpu.dma_semaphore, #tpu.memory_space<semaphore_mem>>
      %dma_wait3A_446 = tpu.memref_squeeze %dma_wait3A_445 : memref<1x!tpu.dma_semaphore, #tpu.memory_space<semaphore_mem>> -> memref<!tpu.dma_semaphore, #tpu.memory_space<semaphore_mem>>
      tpu.wait_indirect_dma semaphore(%dma_wait3A_446 : memref<!tpu.dma_semaphore, #tpu.memory_space<semaphore_mem>>) src(%dma_wait3A_444 : memref<100000x128xf32, #tpu.memory_space<hbm>>) dst(%dma_wait3A_438 : memref<50x128xf32, #tpu.memory_space<vmem>>)
      %mul3A_447 = arith.constant 8 : i32
      %mul3A_448 = arith.muli %add3A_427, %mul3A_447 : i32
      %add3A_449 = arith.constant 1 : i32
      %add3A_450 = arith.addi %mul3A_448, %add3A_449 : i32
      %dma_wait3A_451 = arith.constant 1 : i32
      %dma_wait3A_452 = arith.constant 1 : i32
      %dma_wait3A_453 = arith.constant 1 : i32
      %dma_wait3A_454 = arith.constant 0 : i32
      %dma_wait3A_455 = arith.constant 0 : i32
      %dma_wait3A_456 = tpu.memref_slice %arg6[%dma_wait3A_451, %dma_wait3A_452, %dma_wait3A_454, %dma_wait3A_455] : memref<2x8x50x128xf32, #tpu.memory_space<vmem>> -> memref<1x1x50x128xf32, #tpu.memory_space<vmem>>
      %dma_wait3A_457 = tpu.memref_squeeze %dma_wait3A_456 : memref<1x1x50x128xf32, #tpu.memory_space<vmem>> -> memref<50x128xf32, #tpu.memory_space<vmem>>
      %dma_wait3A_458 = arith.constant 0 : i32
      %dma_wait3A_459 = tpu.memref_slice %arg5[%add3A_450, %dma_wait3A_458] : memref<128x50xi32, #tpu.memory_space<vmem>> -> memref<1x50xi32, #tpu.memory_space<vmem>>
      %dma_wait3A_460 = tpu.memref_squeeze %dma_wait3A_459 : memref<1x50xi32, #tpu.memory_space<vmem>> -> memref<50xi32, #tpu.memory_space<vmem>>
      %dma_wait3A_461 = arith.constant 0 : i32
      %dma_wait3A_462 = arith.constant 0 : i32
      %dma_wait3A_463 = tpu.memref_slice %arg2[%dma_wait3A_461, %dma_wait3A_462] : memref<100000x128xf32, #tpu.memory_space<hbm>> -> memref<100000x128xf32, #tpu.memory_space<hbm>>
      %dma_wait3A_464 = tpu.memref_slice %arg7[%dma_wait3A_453] : memref<2x!tpu.dma_semaphore, #tpu.memory_space<semaphore_mem>> -> memref<1x!tpu.dma_semaphore, #tpu.memory_space<semaphore_mem>>
      %dma_wait3A_465 = tpu.memref_squeeze %dma_wait3A_464 : memref<1x!tpu.dma_semaphore, #tpu.memory_space<semaphore_mem>> -> memref<!tpu.dma_semaphore, #tpu.memory_space<semaphore_mem>>
      tpu.wait_indirect_dma semaphore(%dma_wait3A_465 : memref<!tpu.dma_semaphore, #tpu.memory_space<semaphore_mem>>) src(%dma_wait3A_463 : memref<100000x128xf32, #tpu.memory_space<hbm>>) dst(%dma_wait3A_457 : memref<50x128xf32, #tpu.memory_space<vmem>>)
      %mul3A_466 = arith.constant 8 : i32
      %mul3A_467 = arith.muli %add3A_427, %mul3A_466 : i32
      %add3A_468 = arith.constant 2 : i32
      %add3A_469 = arith.addi %mul3A_467, %add3A_468 : i32
      %dma_wait3A_470 = arith.constant 1 : i32
      %dma_wait3A_471 = arith.constant 2 : i32
      %dma_wait3A_472 = arith.constant 1 : i32
      %dma_wait3A_473 = arith.constant 0 : i32
      %dma_wait3A_474 = arith.constant 0 : i32
      %dma_wait3A_475 = tpu.memref_slice %arg6[%dma_wait3A_470, %dma_wait3A_471, %dma_wait3A_473, %dma_wait3A_474] : memref<2x8x50x128xf32, #tpu.memory_space<vmem>> -> memref<1x1x50x128xf32, #tpu.memory_space<vmem>>
      %dma_wait3A_476 = tpu.memref_squeeze %dma_wait3A_475 : memref<1x1x50x128xf32, #tpu.memory_space<vmem>> -> memref<50x128xf32, #tpu.memory_space<vmem>>
      %dma_wait3A_477 = arith.constant 0 : i32
      %dma_wait3A_478 = tpu.memref_slice %arg5[%add3A_469, %dma_wait3A_477] : memref<128x50xi32, #tpu.memory_space<vmem>> -> memref<1x50xi32, #tpu.memory_space<vmem>>
      %dma_wait3A_479 = tpu.memref_squeeze %dma_wait3A_478 : memref<1x50xi32, #tpu.memory_space<vmem>> -> memref<50xi32, #tpu.memory_space<vmem>>
      %dma_wait3A_480 = arith.constant 0 : i32
      %dma_wait3A_481 = arith.constant 0 : i32
      %dma_wait3A_482 = tpu.memref_slice %arg2[%dma_wait3A_480, %dma_wait3A_481] : memref<100000x128xf32, #tpu.memory_space<hbm>> -> memref<100000x128xf32, #tpu.memory_space<hbm>>
      %dma_wait3A_483 = tpu.memref_slice %arg7[%dma_wait3A_472] : memref<2x!tpu.dma_semaphore, #tpu.memory_space<semaphore_mem>> -> memref<1x!tpu.dma_semaphore, #tpu.memory_space<semaphore_mem>>
      %dma_wait3A_484 = tpu.memref_squeeze %dma_wait3A_483 : memref<1x!tpu.dma_semaphore, #tpu.memory_space<semaphore_mem>> -> memref<!tpu.dma_semaphore, #tpu.memory_space<semaphore_mem>>
      tpu.wait_indirect_dma semaphore(%dma_wait3A_484 : memref<!tpu.dma_semaphore, #tpu.memory_space<semaphore_mem>>) src(%dma_wait3A_482 : memref<100000x128xf32, #tpu.memory_space<hbm>>) dst(%dma_wait3A_476 : memref<50x128xf32, #tpu.memory_space<vmem>>)
      %mul3A_485 = arith.constant 8 : i32
      %mul3A_486 = arith.muli %add3A_427, %mul3A_485 : i32
      %add3A_487 = arith.constant 3 : i32
      %add3A_488 = arith.addi %mul3A_486, %add3A_487 : i32
      %dma_wait3A_489 = arith.constant 1 : i32
      %dma_wait3A_490 = arith.constant 3 : i32
      %dma_wait3A_491 = arith.constant 1 : i32
      %dma_wait3A_492 = arith.constant 0 : i32
      %dma_wait3A_493 = arith.constant 0 : i32
      %dma_wait3A_494 = tpu.memref_slice %arg6[%dma_wait3A_489, %dma_wait3A_490, %dma_wait3A_492, %dma_wait3A_493] : memref<2x8x50x128xf32, #tpu.memory_space<vmem>> -> memref<1x1x50x128xf32, #tpu.memory_space<vmem>>
      %dma_wait3A_495 = tpu.memref_squeeze %dma_wait3A_494 : memref<1x1x50x128xf32, #tpu.memory_space<vmem>> -> memref<50x128xf32, #tpu.memory_space<vmem>>
      %dma_wait3A_496 = arith.constant 0 : i32
      %dma_wait3A_497 = tpu.memref_slice %arg5[%add3A_488, %dma_wait3A_496] : memref<128x50xi32, #tpu.memory_space<vmem>> -> memref<1x50xi32, #tpu.memory_space<vmem>>
      %dma_wait3A_498 = tpu.memref_squeeze %dma_wait3A_497 : memref<1x50xi32, #tpu.memory_space<vmem>> -> memref<50xi32, #tpu.memory_space<vmem>>
      %dma_wait3A_499 = arith.constant 0 : i32
      %dma_wait3A_500 = arith.constant 0 : i32
      %dma_wait3A_501 = tpu.memref_slice %arg2[%dma_wait3A_499, %dma_wait3A_500] : memref<100000x128xf32, #tpu.memory_space<hbm>> -> memref<100000x128xf32, #tpu.memory_space<hbm>>
      %dma_wait3A_502 = tpu.memref_slice %arg7[%dma_wait3A_491] : memref<2x!tpu.dma_semaphore, #tpu.memory_space<semaphore_mem>> -> memref<1x!tpu.dma_semaphore, #tpu.memory_space<semaphore_mem>>
      %dma_wait3A_503 = tpu.memref_squeeze %dma_wait3A_502 : memref<1x!tpu.dma_semaphore, #tpu.memory_space<semaphore_mem>> -> memref<!tpu.dma_semaphore, #tpu.memory_space<semaphore_mem>>
      tpu.wait_indirect_dma semaphore(%dma_wait3A_503 : memref<!tpu.dma_semaphore, #tpu.memory_space<semaphore_mem>>) src(%dma_wait3A_501 : memref<100000x128xf32, #tpu.memory_space<hbm>>) dst(%dma_wait3A_495 : memref<50x128xf32, #tpu.memory_space<vmem>>)
      %mul3A_504 = arith.constant 8 : i32
      %mul3A_505 = arith.muli %add3A_427, %mul3A_504 : i32
      %add3A_506 = arith.constant 4 : i32
      %add3A_507 = arith.addi %mul3A_505, %add3A_506 : i32
      %dma_wait3A_508 = arith.constant 1 : i32
      %dma_wait3A_509 = arith.constant 4 : i32
      %dma_wait3A_510 = arith.constant 1 : i32
      %dma_wait3A_511 = arith.constant 0 : i32
      %dma_wait3A_512 = arith.constant 0 : i32
      %dma_wait3A_513 = tpu.memref_slice %arg6[%dma_wait3A_508, %dma_wait3A_509, %dma_wait3A_511, %dma_wait3A_512] : memref<2x8x50x128xf32, #tpu.memory_space<vmem>> -> memref<1x1x50x128xf32, #tpu.memory_space<vmem>>
      %dma_wait3A_514 = tpu.memref_squeeze %dma_wait3A_513 : memref<1x1x50x128xf32, #tpu.memory_space<vmem>> -> memref<50x128xf32, #tpu.memory_space<vmem>>
      %dma_wait3A_515 = arith.constant 0 : i32
      %dma_wait3A_516 = tpu.memref_slice %arg5[%add3A_507, %dma_wait3A_515] : memref<128x50xi32, #tpu.memory_space<vmem>> -> memref<1x50xi32, #tpu.memory_space<vmem>>
      %dma_wait3A_517 = tpu.memref_squeeze %dma_wait3A_516 : memref<1x50xi32, #tpu.memory_space<vmem>> -> memref<50xi32, #tpu.memory_space<vmem>>
      %dma_wait3A_518 = arith.constant 0 : i32
      %dma_wait3A_519 = arith.constant 0 : i32
      %dma_wait3A_520 = tpu.memref_slice %arg2[%dma_wait3A_518, %dma_wait3A_519] : memref<100000x128xf32, #tpu.memory_space<hbm>> -> memref<100000x128xf32, #tpu.memory_space<hbm>>
      %dma_wait3A_521 = tpu.memref_slice %arg7[%dma_wait3A_510] : memref<2x!tpu.dma_semaphore, #tpu.memory_space<semaphore_mem>> -> memref<1x!tpu.dma_semaphore, #tpu.memory_space<semaphore_mem>>
      %dma_wait3A_522 = tpu.memref_squeeze %dma_wait3A_521 : memref<1x!tpu.dma_semaphore, #tpu.memory_space<semaphore_mem>> -> memref<!tpu.dma_semaphore, #tpu.memory_space<semaphore_mem>>
      tpu.wait_indirect_dma semaphore(%dma_wait3A_522 : memref<!tpu.dma_semaphore, #tpu.memory_space<semaphore_mem>>) src(%dma_wait3A_520 : memref<100000x128xf32, #tpu.memory_space<hbm>>) dst(%dma_wait3A_514 : memref<50x128xf32, #tpu.memory_space<vmem>>)
      %mul3A_523 = arith.constant 8 : i32
      %mul3A_524 = arith.muli %add3A_427, %mul3A_523 : i32
      %add3A_525 = arith.constant 5 : i32
      %add3A_526 = arith.addi %mul3A_524, %add3A_525 : i32
      %dma_wait3A_527 = arith.constant 1 : i32
      %dma_wait3A_528 = arith.constant 5 : i32
      %dma_wait3A_529 = arith.constant 1 : i32
      %dma_wait3A_530 = arith.constant 0 : i32
      %dma_wait3A_531 = arith.constant 0 : i32
      %dma_wait3A_532 = tpu.memref_slice %arg6[%dma_wait3A_527, %dma_wait3A_528, %dma_wait3A_530, %dma_wait3A_531] : memref<2x8x50x128xf32, #tpu.memory_space<vmem>> -> memref<1x1x50x128xf32, #tpu.memory_space<vmem>>
      %dma_wait3A_533 = tpu.memref_squeeze %dma_wait3A_532 : memref<1x1x50x128xf32, #tpu.memory_space<vmem>> -> memref<50x128xf32, #tpu.memory_space<vmem>>
      %dma_wait3A_534 = arith.constant 0 : i32
      %dma_wait3A_535 = tpu.memref_slice %arg5[%add3A_526, %dma_wait3A_534] : memref<128x50xi32, #tpu.memory_space<vmem>> -> memref<1x50xi32, #tpu.memory_space<vmem>>
      %dma_wait3A_536 = tpu.memref_squeeze %dma_wait3A_535 : memref<1x50xi32, #tpu.memory_space<vmem>> -> memref<50xi32, #tpu.memory_space<vmem>>
      %dma_wait3A_537 = arith.constant 0 : i32
      %dma_wait3A_538 = arith.constant 0 : i32
      %dma_wait3A_539 = tpu.memref_slice %arg2[%dma_wait3A_537, %dma_wait3A_538] : memref<100000x128xf32, #tpu.memory_space<hbm>> -> memref<100000x128xf32, #tpu.memory_space<hbm>>
      %dma_wait3A_540 = tpu.memref_slice %arg7[%dma_wait3A_529] : memref<2x!tpu.dma_semaphore, #tpu.memory_space<semaphore_mem>> -> memref<1x!tpu.dma_semaphore, #tpu.memory_space<semaphore_mem>>
      %dma_wait3A_541 = tpu.memref_squeeze %dma_wait3A_540 : memref<1x!tpu.dma_semaphore, #tpu.memory_space<semaphore_mem>> -> memref<!tpu.dma_semaphore, #tpu.memory_space<semaphore_mem>>
      tpu.wait_indirect_dma semaphore(%dma_wait3A_541 : memref<!tpu.dma_semaphore, #tpu.memory_space<semaphore_mem>>) src(%dma_wait3A_539 : memref<100000x128xf32, #tpu.memory_space<hbm>>) dst(%dma_wait3A_533 : memref<50x128xf32, #tpu.memory_space<vmem>>)
      %mul3A_542 = arith.constant 8 : i32
      %mul3A_543 = arith.muli %add3A_427, %mul3A_542 : i32
      %add3A_544 = arith.constant 6 : i32
      %add3A_545 = arith.addi %mul3A_543, %add3A_544 : i32
      %dma_wait3A_546 = arith.constant 1 : i32
      %dma_wait3A_547 = arith.constant 6 : i32
      %dma_wait3A_548 = arith.constant 1 : i32
      %dma_wait3A_549 = arith.constant 0 : i32
      %dma_wait3A_550 = arith.constant 0 : i32
      %dma_wait3A_551 = tpu.memref_slice %arg6[%dma_wait3A_546, %dma_wait3A_547, %dma_wait3A_549, %dma_wait3A_550] : memref<2x8x50x128xf32, #tpu.memory_space<vmem>> -> memref<1x1x50x128xf32, #tpu.memory_space<vmem>>
      %dma_wait3A_552 = tpu.memref_squeeze %dma_wait3A_551 : memref<1x1x50x128xf32, #tpu.memory_space<vmem>> -> memref<50x128xf32, #tpu.memory_space<vmem>>
      %dma_wait3A_553 = arith.constant 0 : i32
      %dma_wait3A_554 = tpu.memref_slice %arg5[%add3A_545, %dma_wait3A_553] : memref<128x50xi32, #tpu.memory_space<vmem>> -> memref<1x50xi32, #tpu.memory_space<vmem>>
      %dma_wait3A_555 = tpu.memref_squeeze %dma_wait3A_554 : memref<1x50xi32, #tpu.memory_space<vmem>> -> memref<50xi32, #tpu.memory_space<vmem>>
      %dma_wait3A_556 = arith.constant 0 : i32
      %dma_wait3A_557 = arith.constant 0 : i32
      %dma_wait3A_558 = tpu.memref_slice %arg2[%dma_wait3A_556, %dma_wait3A_557] : memref<100000x128xf32, #tpu.memory_space<hbm>> -> memref<100000x128xf32, #tpu.memory_space<hbm>>
      %dma_wait3A_559 = tpu.memref_slice %arg7[%dma_wait3A_548] : memref<2x!tpu.dma_semaphore, #tpu.memory_space<semaphore_mem>> -> memref<1x!tpu.dma_semaphore, #tpu.memory_space<semaphore_mem>>
      %dma_wait3A_560 = tpu.memref_squeeze %dma_wait3A_559 : memref<1x!tpu.dma_semaphore, #tpu.memory_space<semaphore_mem>> -> memref<!tpu.dma_semaphore, #tpu.memory_space<semaphore_mem>>
      tpu.wait_indirect_dma semaphore(%dma_wait3A_560 : memref<!tpu.dma_semaphore, #tpu.memory_space<semaphore_mem>>) src(%dma_wait3A_558 : memref<100000x128xf32, #tpu.memory_space<hbm>>) dst(%dma_wait3A_552 : memref<50x128xf32, #tpu.memory_space<vmem>>)
      %mul3A_561 = arith.constant 8 : i32
      %mul3A_562 = arith.muli %add3A_427, %mul3A_561 : i32
      %add3A_563 = arith.constant 7 : i32
      %add3A_564 = arith.addi %mul3A_562, %add3A_563 : i32
      %dma_wait3A_565 = arith.constant 1 : i32
      %dma_wait3A_566 = arith.constant 7 : i32
      %dma_wait3A_567 = arith.constant 1 : i32
      %dma_wait3A_568 = arith.constant 0 : i32
      %dma_wait3A_569 = arith.constant 0 : i32
      %dma_wait3A_570 = tpu.memref_slice %arg6[%dma_wait3A_565, %dma_wait3A_566, %dma_wait3A_568, %dma_wait3A_569] : memref<2x8x50x128xf32, #tpu.memory_space<vmem>> -> memref<1x1x50x128xf32, #tpu.memory_space<vmem>>
      %dma_wait3A_571 = tpu.memref_squeeze %dma_wait3A_570 : memref<1x1x50x128xf32, #tpu.memory_space<vmem>> -> memref<50x128xf32, #tpu.memory_space<vmem>>
      %dma_wait3A_572 = arith.constant 0 : i32
      %dma_wait3A_573 = tpu.memref_slice %arg5[%add3A_564, %dma_wait3A_572] : memref<128x50xi32, #tpu.memory_space<vmem>> -> memref<1x50xi32, #tpu.memory_space<vmem>>
      %dma_wait3A_574 = tpu.memref_squeeze %dma_wait3A_573 : memref<1x50xi32, #tpu.memory_space<vmem>> -> memref<50xi32, #tpu.memory_space<vmem>>
      %dma_wait3A_575 = arith.constant 0 : i32
      %dma_wait3A_576 = arith.constant 0 : i32
      %dma_wait3A_577 = tpu.memref_slice %arg2[%dma_wait3A_575, %dma_wait3A_576] : memref<100000x128xf32, #tpu.memory_space<hbm>> -> memref<100000x128xf32, #tpu.memory_space<hbm>>
      %dma_wait3A_578 = tpu.memref_slice %arg7[%dma_wait3A_567] : memref<2x!tpu.dma_semaphore, #tpu.memory_space<semaphore_mem>> -> memref<1x!tpu.dma_semaphore, #tpu.memory_space<semaphore_mem>>
      %dma_wait3A_579 = tpu.memref_squeeze %dma_wait3A_578 : memref<1x!tpu.dma_semaphore, #tpu.memory_space<semaphore_mem>> -> memref<!tpu.dma_semaphore, #tpu.memory_space<semaphore_mem>>
      tpu.wait_indirect_dma semaphore(%dma_wait3A_579 : memref<!tpu.dma_semaphore, #tpu.memory_space<semaphore_mem>>) src(%dma_wait3A_577 : memref<100000x128xf32, #tpu.memory_space<hbm>>) dst(%dma_wait3A_571 : memref<50x128xf32, #tpu.memory_space<vmem>>)
      %mul3A_580 = arith.constant 8 : i32
      %mul3A_581 = arith.muli %add3A_427, %mul3A_580 : i32
      %add3A_582 = arith.addi %mul3A_2, %mul3A_581 : i32
      %run_scoped3A_583 = arith.constant 1 : i32
      "tpu.region"() ({
        %run_scoped3A_589 = tpu.sem_alloc : memref<!tpu.dma_semaphore, #tpu.memory_space<semaphore_mem>>
        %dma_start3A_590 = arith.constant 0 : i32
        %dma_start3A_591 = arith.constant 0 : i32
        %dma_start3A_592 = arith.constant 0 : i32
        %dma_start3A_593 = tpu.memref_slice %arg6[%run_scoped3A_583, %dma_start3A_590, %dma_start3A_591, %dma_start3A_592] : memref<2x8x50x128xf32, #tpu.memory_space<vmem>> -> memref<1x8x50x128xf32, #tpu.memory_space<vmem>>
        %dma_start3A_594 = tpu.memref_squeeze %dma_start3A_593 : memref<1x8x50x128xf32, #tpu.memory_space<vmem>> -> memref<8x50x128xf32, #tpu.memory_space<vmem>>
        %dma_start3A_595 = arith.constant 0 : i32
        %dma_start3A_596 = arith.constant 0 : i32
        %dma_start3A_597 = tpu.memref_slice %arg4[%add3A_582, %dma_start3A_595, %dma_start3A_596] : memref<4096x50x128xf32, #tpu.memory_space<hbm>> -> memref<8x50x128xf32, #tpu.memory_space<hbm>>
        %dma_start3A_598 = arith.constant 0 : i32
        %dma_start3A_599 = arith.constant 0 : i32
        %dma_start3A_600 = tpu.memref_slice %arg4[%add3A_582, %dma_start3A_598, %dma_start3A_599] : memref<4096x50x128xf32, #tpu.memory_space<hbm>> -> memref<8x50x128xf32, #tpu.memory_space<hbm>>
        %dma_start3A_601 = arith.constant 0 : i32
        %dma_start3A_602 = arith.constant 0 : i32
        %dma_start3A_603 = arith.constant 0 : i32
        %dma_start3A_604 = tpu.memref_slice %arg6[%run_scoped3A_583, %dma_start3A_601, %dma_start3A_602, %dma_start3A_603] : memref<2x8x50x128xf32, #tpu.memory_space<vmem>> -> memref<1x8x50x128xf32, #tpu.memory_space<vmem>>
        %dma_start3A_605 = tpu.memref_squeeze %dma_start3A_604 : memref<1x8x50x128xf32, #tpu.memory_space<vmem>> -> memref<8x50x128xf32, #tpu.memory_space<vmem>>
        tpu.enqueue_dma source(%dma_start3A_605 : memref<8x50x128xf32, #tpu.memory_space<vmem>>) target(%dma_start3A_600 : memref<8x50x128xf32, #tpu.memory_space<hbm>>) target_semaphore(%run_scoped3A_589 : memref<!tpu.dma_semaphore, #tpu.memory_space<semaphore_mem>>)
        %dma_wait3A_606 = arith.constant 0 : i32
        %dma_wait3A_607 = arith.constant 0 : i32
        %dma_wait3A_608 = arith.constant 0 : i32
        %dma_wait3A_609 = tpu.memref_slice %arg6[%run_scoped3A_583, %dma_wait3A_606, %dma_wait3A_607, %dma_wait3A_608] : memref<2x8x50x128xf32, #tpu.memory_space<vmem>> -> memref<1x8x50x128xf32, #tpu.memory_space<vmem>>
        %dma_wait3A_610 = tpu.memref_squeeze %dma_wait3A_609 : memref<1x8x50x128xf32, #tpu.memory_space<vmem>> -> memref<8x50x128xf32, #tpu.memory_space<vmem>>
        %dma_wait3A_611 = arith.constant 0 : i32
        %dma_wait3A_612 = arith.constant 0 : i32
        %dma_wait3A_613 = tpu.memref_slice %arg4[%add3A_582, %dma_wait3A_611, %dma_wait3A_612] : memref<4096x50x128xf32, #tpu.memory_space<hbm>> -> memref<8x50x128xf32, #tpu.memory_space<hbm>>
        %dma_wait3A_614 = arith.constant 0 : i32
        %dma_wait3A_615 = arith.constant 0 : i32
        %dma_wait3A_616 = tpu.memref_slice %arg4[%add3A_582, %dma_wait3A_614, %dma_wait3A_615] : memref<4096x50x128xf32, #tpu.memory_space<hbm>> -> memref<8x50x128xf32, #tpu.memory_space<hbm>>
        %dma_wait3A_617 = arith.constant 0 : i32
        %dma_wait3A_618 = arith.constant 0 : i32
        %dma_wait3A_619 = arith.constant 0 : i32
        %dma_wait3A_620 = tpu.memref_slice %arg6[%run_scoped3A_583, %dma_wait3A_617, %dma_wait3A_618, %dma_wait3A_619] : memref<2x8x50x128xf32, #tpu.memory_space<vmem>> -> memref<1x8x50x128xf32, #tpu.memory_space<vmem>>
        %dma_wait3A_621 = tpu.memref_squeeze %dma_wait3A_620 : memref<1x8x50x128xf32, #tpu.memory_space<vmem>> -> memref<8x50x128xf32, #tpu.memory_space<vmem>>
        tpu.wait_dma2 semaphore(%run_scoped3A_589 : memref<!tpu.dma_semaphore, #tpu.memory_space<semaphore_mem>>) src(%dma_wait3A_621 : memref<8x50x128xf32, #tpu.memory_space<vmem>>) dst(%dma_wait3A_616 : memref<8x50x128xf32, #tpu.memory_space<hbm>>)
        tpu.yield
      }) : () -> ()
      %lt3A_584 = arith.constant 7 : i32
      %lt3A_585 = arith.cmpi slt, %scan3A_263, %lt3A_584 : i32
      %convert_element_type3A_586 = arith.extui %lt3A_585 : i1 to i32
      %cond3A_587 = arith.constant 0 : i32
      %cond3A_588 = arith.cmpi ne, %convert_element_type3A_586, %cond3A_587 : i32
      scf.if %cond3A_588 {
        %add3A_589 = arith.constant 2 : i32
        %add3A_590 = arith.addi %add3A_427, %add3A_589 : i32
        %mul3A_591 = arith.constant 8 : i32
        %mul3A_592 = arith.muli %add3A_590, %mul3A_591 : i32
        %add3A_593 = arith.constant 0 : i32
        %add3A_594 = arith.addi %mul3A_592, %add3A_593 : i32
        %dma_start3A_595 = arith.constant 1 : i32
        %dma_start3A_596 = arith.constant 0 : i32
        %dma_start3A_597 = arith.constant 1 : i32
        %dma_start3A_598 = arith.constant 0 : i32
        %dma_start3A_599 = arith.constant 0 : i32
        %dma_start3A_600 = tpu.memref_slice %arg6[%dma_start3A_595, %dma_start3A_596, %dma_start3A_598, %dma_start3A_599] : memref<2x8x50x128xf32, #tpu.memory_space<vmem>> -> memref<1x1x50x128xf32, #tpu.memory_space<vmem>>
        %dma_start3A_601 = tpu.memref_squeeze %dma_start3A_600 : memref<1x1x50x128xf32, #tpu.memory_space<vmem>> -> memref<50x128xf32, #tpu.memory_space<vmem>>
        %dma_start3A_602 = arith.constant 0 : i32
        %dma_start3A_603 = tpu.memref_slice %arg5[%add3A_594, %dma_start3A_602] : memref<128x50xi32, #tpu.memory_space<vmem>> -> memref<1x50xi32, #tpu.memory_space<vmem>>
        %dma_start3A_604 = tpu.memref_squeeze %dma_start3A_603 : memref<1x50xi32, #tpu.memory_space<vmem>> -> memref<50xi32, #tpu.memory_space<vmem>>
        %dma_start3A_605 = arith.constant 0 : i32
        %dma_start3A_606 = arith.constant 0 : i32
        %dma_start3A_607 = tpu.memref_slice %arg2[%dma_start3A_605, %dma_start3A_606] : memref<100000x128xf32, #tpu.memory_space<hbm>> -> memref<100000x128xf32, #tpu.memory_space<hbm>>
        %dma_start3A_608 = tpu.memref_slice %arg7[%dma_start3A_597] : memref<2x!tpu.dma_semaphore, #tpu.memory_space<semaphore_mem>> -> memref<1x!tpu.dma_semaphore, #tpu.memory_space<semaphore_mem>>
        %dma_start3A_609 = tpu.memref_squeeze %dma_start3A_608 : memref<1x!tpu.dma_semaphore, #tpu.memory_space<semaphore_mem>> -> memref<!tpu.dma_semaphore, #tpu.memory_space<semaphore_mem>>
        tpu.enqueue_indirect_dma source(%dma_start3A_607 : memref<100000x128xf32, #tpu.memory_space<hbm>>) target(%dma_start3A_601 : memref<50x128xf32, #tpu.memory_space<vmem>>) offsets(%dma_start3A_604 : memref<50xi32, #tpu.memory_space<vmem>>) semaphore(%dma_start3A_609 : memref<!tpu.dma_semaphore, #tpu.memory_space<semaphore_mem>>)
        %mul3A_610 = arith.constant 8 : i32
        %mul3A_611 = arith.muli %add3A_590, %mul3A_610 : i32
        %add3A_612 = arith.constant 1 : i32
        %add3A_613 = arith.addi %mul3A_611, %add3A_612 : i32
        %dma_start3A_614 = arith.constant 1 : i32
        %dma_start3A_615 = arith.constant 1 : i32
        %dma_start3A_616 = arith.constant 1 : i32
        %dma_start3A_617 = arith.constant 0 : i32
        %dma_start3A_618 = arith.constant 0 : i32
        %dma_start3A_619 = tpu.memref_slice %arg6[%dma_start3A_614, %dma_start3A_615, %dma_start3A_617, %dma_start3A_618] : memref<2x8x50x128xf32, #tpu.memory_space<vmem>> -> memref<1x1x50x128xf32, #tpu.memory_space<vmem>>
        %dma_start3A_620 = tpu.memref_squeeze %dma_start3A_619 : memref<1x1x50x128xf32, #tpu.memory_space<vmem>> -> memref<50x128xf32, #tpu.memory_space<vmem>>
        %dma_start3A_621 = arith.constant 0 : i32
        %dma_start3A_622 = tpu.memref_slice %arg5[%add3A_613, %dma_start3A_621] : memref<128x50xi32, #tpu.memory_space<vmem>> -> memref<1x50xi32, #tpu.memory_space<vmem>>
        %dma_start3A_623 = tpu.memref_squeeze %dma_start3A_622 : memref<1x50xi32, #tpu.memory_space<vmem>> -> memref<50xi32, #tpu.memory_space<vmem>>
        %dma_start3A_624 = arith.constant 0 : i32
        %dma_start3A_625 = arith.constant 0 : i32
        %dma_start3A_626 = tpu.memref_slice %arg2[%dma_start3A_624, %dma_start3A_625] : memref<100000x128xf32, #tpu.memory_space<hbm>> -> memref<100000x128xf32, #tpu.memory_space<hbm>>
        %dma_start3A_627 = tpu.memref_slice %arg7[%dma_start3A_616] : memref<2x!tpu.dma_semaphore, #tpu.memory_space<semaphore_mem>> -> memref<1x!tpu.dma_semaphore, #tpu.memory_space<semaphore_mem>>
        %dma_start3A_628 = tpu.memref_squeeze %dma_start3A_627 : memref<1x!tpu.dma_semaphore, #tpu.memory_space<semaphore_mem>> -> memref<!tpu.dma_semaphore, #tpu.memory_space<semaphore_mem>>
        tpu.enqueue_indirect_dma source(%dma_start3A_626 : memref<100000x128xf32, #tpu.memory_space<hbm>>) target(%dma_start3A_620 : memref<50x128xf32, #tpu.memory_space<vmem>>) offsets(%dma_start3A_623 : memref<50xi32, #tpu.memory_space<vmem>>) semaphore(%dma_start3A_628 : memref<!tpu.dma_semaphore, #tpu.memory_space<semaphore_mem>>)
        %mul3A_629 = arith.constant 8 : i32
        %mul3A_630 = arith.muli %add3A_590, %mul3A_629 : i32
        %add3A_631 = arith.constant 2 : i32
        %add3A_632 = arith.addi %mul3A_630, %add3A_631 : i32
        %dma_start3A_633 = arith.constant 1 : i32
        %dma_start3A_634 = arith.constant 2 : i32
        %dma_start3A_635 = arith.constant 1 : i32
        %dma_start3A_636 = arith.constant 0 : i32
        %dma_start3A_637 = arith.constant 0 : i32
        %dma_start3A_638 = tpu.memref_slice %arg6[%dma_start3A_633, %dma_start3A_634, %dma_start3A_636, %dma_start3A_637] : memref<2x8x50x128xf32, #tpu.memory_space<vmem>> -> memref<1x1x50x128xf32, #tpu.memory_space<vmem>>
        %dma_start3A_639 = tpu.memref_squeeze %dma_start3A_638 : memref<1x1x50x128xf32, #tpu.memory_space<vmem>> -> memref<50x128xf32, #tpu.memory_space<vmem>>
        %dma_start3A_640 = arith.constant 0 : i32
        %dma_start3A_641 = tpu.memref_slice %arg5[%add3A_632, %dma_start3A_640] : memref<128x50xi32, #tpu.memory_space<vmem>> -> memref<1x50xi32, #tpu.memory_space<vmem>>
        %dma_start3A_642 = tpu.memref_squeeze %dma_start3A_641 : memref<1x50xi32, #tpu.memory_space<vmem>> -> memref<50xi32, #tpu.memory_space<vmem>>
        %dma_start3A_643 = arith.constant 0 : i32
        %dma_start3A_644 = arith.constant 0 : i32
        %dma_start3A_645 = tpu.memref_slice %arg2[%dma_start3A_643, %dma_start3A_644] : memref<100000x128xf32, #tpu.memory_space<hbm>> -> memref<100000x128xf32, #tpu.memory_space<hbm>>
        %dma_start3A_646 = tpu.memref_slice %arg7[%dma_start3A_635] : memref<2x!tpu.dma_semaphore, #tpu.memory_space<semaphore_mem>> -> memref<1x!tpu.dma_semaphore, #tpu.memory_space<semaphore_mem>>
        %dma_start3A_647 = tpu.memref_squeeze %dma_start3A_646 : memref<1x!tpu.dma_semaphore, #tpu.memory_space<semaphore_mem>> -> memref<!tpu.dma_semaphore, #tpu.memory_space<semaphore_mem>>
        tpu.enqueue_indirect_dma source(%dma_start3A_645 : memref<100000x128xf32, #tpu.memory_space<hbm>>) target(%dma_start3A_639 : memref<50x128xf32, #tpu.memory_space<vmem>>) offsets(%dma_start3A_642 : memref<50xi32, #tpu.memory_space<vmem>>) semaphore(%dma_start3A_647 : memref<!tpu.dma_semaphore, #tpu.memory_space<semaphore_mem>>)
        %mul3A_648 = arith.constant 8 : i32
        %mul3A_649 = arith.muli %add3A_590, %mul3A_648 : i32
        %add3A_650 = arith.constant 3 : i32
        %add3A_651 = arith.addi %mul3A_649, %add3A_650 : i32
        %dma_start3A_652 = arith.constant 1 : i32
        %dma_start3A_653 = arith.constant 3 : i32
        %dma_start3A_654 = arith.constant 1 : i32
        %dma_start3A_655 = arith.constant 0 : i32
        %dma_start3A_656 = arith.constant 0 : i32
        %dma_start3A_657 = tpu.memref_slice %arg6[%dma_start3A_652, %dma_start3A_653, %dma_start3A_655, %dma_start3A_656] : memref<2x8x50x128xf32, #tpu.memory_space<vmem>> -> memref<1x1x50x128xf32, #tpu.memory_space<vmem>>
        %dma_start3A_658 = tpu.memref_squeeze %dma_start3A_657 : memref<1x1x50x128xf32, #tpu.memory_space<vmem>> -> memref<50x128xf32, #tpu.memory_space<vmem>>
        %dma_start3A_659 = arith.constant 0 : i32
        %dma_start3A_660 = tpu.memref_slice %arg5[%add3A_651, %dma_start3A_659] : memref<128x50xi32, #tpu.memory_space<vmem>> -> memref<1x50xi32, #tpu.memory_space<vmem>>
        %dma_start3A_661 = tpu.memref_squeeze %dma_start3A_660 : memref<1x50xi32, #tpu.memory_space<vmem>> -> memref<50xi32, #tpu.memory_space<vmem>>
        %dma_start3A_662 = arith.constant 0 : i32
        %dma_start3A_663 = arith.constant 0 : i32
        %dma_start3A_664 = tpu.memref_slice %arg2[%dma_start3A_662, %dma_start3A_663] : memref<100000x128xf32, #tpu.memory_space<hbm>> -> memref<100000x128xf32, #tpu.memory_space<hbm>>
        %dma_start3A_665 = tpu.memref_slice %arg7[%dma_start3A_654] : memref<2x!tpu.dma_semaphore, #tpu.memory_space<semaphore_mem>> -> memref<1x!tpu.dma_semaphore, #tpu.memory_space<semaphore_mem>>
        %dma_start3A_666 = tpu.memref_squeeze %dma_start3A_665 : memref<1x!tpu.dma_semaphore, #tpu.memory_space<semaphore_mem>> -> memref<!tpu.dma_semaphore, #tpu.memory_space<semaphore_mem>>
        tpu.enqueue_indirect_dma source(%dma_start3A_664 : memref<100000x128xf32, #tpu.memory_space<hbm>>) target(%dma_start3A_658 : memref<50x128xf32, #tpu.memory_space<vmem>>) offsets(%dma_start3A_661 : memref<50xi32, #tpu.memory_space<vmem>>) semaphore(%dma_start3A_666 : memref<!tpu.dma_semaphore, #tpu.memory_space<semaphore_mem>>)
        %mul3A_667 = arith.constant 8 : i32
        %mul3A_668 = arith.muli %add3A_590, %mul3A_667 : i32
        %add3A_669 = arith.constant 4 : i32
        %add3A_670 = arith.addi %mul3A_668, %add3A_669 : i32
        %dma_start3A_671 = arith.constant 1 : i32
        %dma_start3A_672 = arith.constant 4 : i32
        %dma_start3A_673 = arith.constant 1 : i32
        %dma_start3A_674 = arith.constant 0 : i32
        %dma_start3A_675 = arith.constant 0 : i32
        %dma_start3A_676 = tpu.memref_slice %arg6[%dma_start3A_671, %dma_start3A_672, %dma_start3A_674, %dma_start3A_675] : memref<2x8x50x128xf32, #tpu.memory_space<vmem>> -> memref<1x1x50x128xf32, #tpu.memory_space<vmem>>
        %dma_start3A_677 = tpu.memref_squeeze %dma_start3A_676 : memref<1x1x50x128xf32, #tpu.memory_space<vmem>> -> memref<50x128xf32, #tpu.memory_space<vmem>>
        %dma_start3A_678 = arith.constant 0 : i32
        %dma_start3A_679 = tpu.memref_slice %arg5[%add3A_670, %dma_start3A_678] : memref<128x50xi32, #tpu.memory_space<vmem>> -> memref<1x50xi32, #tpu.memory_space<vmem>>
        %dma_start3A_680 = tpu.memref_squeeze %dma_start3A_679 : memref<1x50xi32, #tpu.memory_space<vmem>> -> memref<50xi32, #tpu.memory_space<vmem>>
        %dma_start3A_681 = arith.constant 0 : i32
        %dma_start3A_682 = arith.constant 0 : i32
        %dma_start3A_683 = tpu.memref_slice %arg2[%dma_start3A_681, %dma_start3A_682] : memref<100000x128xf32, #tpu.memory_space<hbm>> -> memref<100000x128xf32, #tpu.memory_space<hbm>>
        %dma_start3A_684 = tpu.memref_slice %arg7[%dma_start3A_673] : memref<2x!tpu.dma_semaphore, #tpu.memory_space<semaphore_mem>> -> memref<1x!tpu.dma_semaphore, #tpu.memory_space<semaphore_mem>>
        %dma_start3A_685 = tpu.memref_squeeze %dma_start3A_684 : memref<1x!tpu.dma_semaphore, #tpu.memory_space<semaphore_mem>> -> memref<!tpu.dma_semaphore, #tpu.memory_space<semaphore_mem>>
        tpu.enqueue_indirect_dma source(%dma_start3A_683 : memref<100000x128xf32, #tpu.memory_space<hbm>>) target(%dma_start3A_677 : memref<50x128xf32, #tpu.memory_space<vmem>>) offsets(%dma_start3A_680 : memref<50xi32, #tpu.memory_space<vmem>>) semaphore(%dma_start3A_685 : memref<!tpu.dma_semaphore, #tpu.memory_space<semaphore_mem>>)
        %mul3A_686 = arith.constant 8 : i32
        %mul3A_687 = arith.muli %add3A_590, %mul3A_686 : i32
        %add3A_688 = arith.constant 5 : i32
        %add3A_689 = arith.addi %mul3A_687, %add3A_688 : i32
        %dma_start3A_690 = arith.constant 1 : i32
        %dma_start3A_691 = arith.constant 5 : i32
        %dma_start3A_692 = arith.constant 1 : i32
        %dma_start3A_693 = arith.constant 0 : i32
        %dma_start3A_694 = arith.constant 0 : i32
        %dma_start3A_695 = tpu.memref_slice %arg6[%dma_start3A_690, %dma_start3A_691, %dma_start3A_693, %dma_start3A_694] : memref<2x8x50x128xf32, #tpu.memory_space<vmem>> -> memref<1x1x50x128xf32, #tpu.memory_space<vmem>>
        %dma_start3A_696 = tpu.memref_squeeze %dma_start3A_695 : memref<1x1x50x128xf32, #tpu.memory_space<vmem>> -> memref<50x128xf32, #tpu.memory_space<vmem>>
        %dma_start3A_697 = arith.constant 0 : i32
        %dma_start3A_698 = tpu.memref_slice %arg5[%add3A_689, %dma_start3A_697] : memref<128x50xi32, #tpu.memory_space<vmem>> -> memref<1x50xi32, #tpu.memory_space<vmem>>
        %dma_start3A_699 = tpu.memref_squeeze %dma_start3A_698 : memref<1x50xi32, #tpu.memory_space<vmem>> -> memref<50xi32, #tpu.memory_space<vmem>>
        %dma_start3A_700 = arith.constant 0 : i32
        %dma_start3A_701 = arith.constant 0 : i32
        %dma_start3A_702 = tpu.memref_slice %arg2[%dma_start3A_700, %dma_start3A_701] : memref<100000x128xf32, #tpu.memory_space<hbm>> -> memref<100000x128xf32, #tpu.memory_space<hbm>>
        %dma_start3A_703 = tpu.memref_slice %arg7[%dma_start3A_692] : memref<2x!tpu.dma_semaphore, #tpu.memory_space<semaphore_mem>> -> memref<1x!tpu.dma_semaphore, #tpu.memory_space<semaphore_mem>>
        %dma_start3A_704 = tpu.memref_squeeze %dma_start3A_703 : memref<1x!tpu.dma_semaphore, #tpu.memory_space<semaphore_mem>> -> memref<!tpu.dma_semaphore, #tpu.memory_space<semaphore_mem>>
        tpu.enqueue_indirect_dma source(%dma_start3A_702 : memref<100000x128xf32, #tpu.memory_space<hbm>>) target(%dma_start3A_696 : memref<50x128xf32, #tpu.memory_space<vmem>>) offsets(%dma_start3A_699 : memref<50xi32, #tpu.memory_space<vmem>>) semaphore(%dma_start3A_704 : memref<!tpu.dma_semaphore, #tpu.memory_space<semaphore_mem>>)
        %mul3A_705 = arith.constant 8 : i32
        %mul3A_706 = arith.muli %add3A_590, %mul3A_705 : i32
        %add3A_707 = arith.constant 6 : i32
        %add3A_708 = arith.addi %mul3A_706, %add3A_707 : i32
        %dma_start3A_709 = arith.constant 1 : i32
        %dma_start3A_710 = arith.constant 6 : i32
        %dma_start3A_711 = arith.constant 1 : i32
        %dma_start3A_712 = arith.constant 0 : i32
        %dma_start3A_713 = arith.constant 0 : i32
        %dma_start3A_714 = tpu.memref_slice %arg6[%dma_start3A_709, %dma_start3A_710, %dma_start3A_712, %dma_start3A_713] : memref<2x8x50x128xf32, #tpu.memory_space<vmem>> -> memref<1x1x50x128xf32, #tpu.memory_space<vmem>>
        %dma_start3A_715 = tpu.memref_squeeze %dma_start3A_714 : memref<1x1x50x128xf32, #tpu.memory_space<vmem>> -> memref<50x128xf32, #tpu.memory_space<vmem>>
        %dma_start3A_716 = arith.constant 0 : i32
        %dma_start3A_717 = tpu.memref_slice %arg5[%add3A_708, %dma_start3A_716] : memref<128x50xi32, #tpu.memory_space<vmem>> -> memref<1x50xi32, #tpu.memory_space<vmem>>
        %dma_start3A_718 = tpu.memref_squeeze %dma_start3A_717 : memref<1x50xi32, #tpu.memory_space<vmem>> -> memref<50xi32, #tpu.memory_space<vmem>>
        %dma_start3A_719 = arith.constant 0 : i32
        %dma_start3A_720 = arith.constant 0 : i32
        %dma_start3A_721 = tpu.memref_slice %arg2[%dma_start3A_719, %dma_start3A_720] : memref<100000x128xf32, #tpu.memory_space<hbm>> -> memref<100000x128xf32, #tpu.memory_space<hbm>>
        %dma_start3A_722 = tpu.memref_slice %arg7[%dma_start3A_711] : memref<2x!tpu.dma_semaphore, #tpu.memory_space<semaphore_mem>> -> memref<1x!tpu.dma_semaphore, #tpu.memory_space<semaphore_mem>>
        %dma_start3A_723 = tpu.memref_squeeze %dma_start3A_722 : memref<1x!tpu.dma_semaphore, #tpu.memory_space<semaphore_mem>> -> memref<!tpu.dma_semaphore, #tpu.memory_space<semaphore_mem>>
        tpu.enqueue_indirect_dma source(%dma_start3A_721 : memref<100000x128xf32, #tpu.memory_space<hbm>>) target(%dma_start3A_715 : memref<50x128xf32, #tpu.memory_space<vmem>>) offsets(%dma_start3A_718 : memref<50xi32, #tpu.memory_space<vmem>>) semaphore(%dma_start3A_723 : memref<!tpu.dma_semaphore, #tpu.memory_space<semaphore_mem>>)
        %mul3A_724 = arith.constant 8 : i32
        %mul3A_725 = arith.muli %add3A_590, %mul3A_724 : i32
        %add3A_726 = arith.constant 7 : i32
        %add3A_727 = arith.addi %mul3A_725, %add3A_726 : i32
        %dma_start3A_728 = arith.constant 1 : i32
        %dma_start3A_729 = arith.constant 7 : i32
        %dma_start3A_730 = arith.constant 1 : i32
        %dma_start3A_731 = arith.constant 0 : i32
        %dma_start3A_732 = arith.constant 0 : i32
        %dma_start3A_733 = tpu.memref_slice %arg6[%dma_start3A_728, %dma_start3A_729, %dma_start3A_731, %dma_start3A_732] : memref<2x8x50x128xf32, #tpu.memory_space<vmem>> -> memref<1x1x50x128xf32, #tpu.memory_space<vmem>>
        %dma_start3A_734 = tpu.memref_squeeze %dma_start3A_733 : memref<1x1x50x128xf32, #tpu.memory_space<vmem>> -> memref<50x128xf32, #tpu.memory_space<vmem>>
        %dma_start3A_735 = arith.constant 0 : i32
        %dma_start3A_736 = tpu.memref_slice %arg5[%add3A_727, %dma_start3A_735] : memref<128x50xi32, #tpu.memory_space<vmem>> -> memref<1x50xi32, #tpu.memory_space<vmem>>
        %dma_start3A_737 = tpu.memref_squeeze %dma_start3A_736 : memref<1x50xi32, #tpu.memory_space<vmem>> -> memref<50xi32, #tpu.memory_space<vmem>>
        %dma_start3A_738 = arith.constant 0 : i32
        %dma_start3A_739 = arith.constant 0 : i32
        %dma_start3A_740 = tpu.memref_slice %arg2[%dma_start3A_738, %dma_start3A_739] : memref<100000x128xf32, #tpu.memory_space<hbm>> -> memref<100000x128xf32, #tpu.memory_space<hbm>>
        %dma_start3A_741 = tpu.memref_slice %arg7[%dma_start3A_730] : memref<2x!tpu.dma_semaphore, #tpu.memory_space<semaphore_mem>> -> memref<1x!tpu.dma_semaphore, #tpu.memory_space<semaphore_mem>>
        %dma_start3A_742 = tpu.memref_squeeze %dma_start3A_741 : memref<1x!tpu.dma_semaphore, #tpu.memory_space<semaphore_mem>> -> memref<!tpu.dma_semaphore, #tpu.memory_space<semaphore_mem>>
        tpu.enqueue_indirect_dma source(%dma_start3A_740 : memref<100000x128xf32, #tpu.memory_space<hbm>>) target(%dma_start3A_734 : memref<50x128xf32, #tpu.memory_space<vmem>>) offsets(%dma_start3A_737 : memref<50xi32, #tpu.memory_space<vmem>>) semaphore(%dma_start3A_742 : memref<!tpu.dma_semaphore, #tpu.memory_space<semaphore_mem>>)
      } else {
      }
    }
    %scan3A_262 = arith.constant 8 : i32
    return
  }
}

</mosaic_0001>

<sc_bundles>
// kernel: kernel.3.cloned.1.call-start
scs
__scs_entry_jumppad:
0x0: {  	(pc) =	sbr.rel $0x88, $3  }
0x1: {  	(tag) =	ssettag $0x0;
	lr =	simm.s32 $0x1  }
0x2: {  	[smem:$0x3F9F] =	sst lr;
	_ =	strace $0xD0000000  }
0x3: {  	_ = 	snop  }
0x4: {  	_ = 	snop  }
0x5: {  	_ = 	snop  }
0x6: {  	_ = 	snop  }
0x7: {  	_ = 	snop  }
__scs_overlays_trampoline_lowered:
0x8: {  	[smem:$0x3FAE] =	sst s0  }
0x9: {  	[smem:$0x3FAF] =	sst s1  }
0xa: {  	[smem:$0x3FB0] =	sst s2  }
0xb: {  	[smem:$0x3FB1] =	sst s3  }
0xc: {  	[smem:$0x3FB2] =	sst s4  }
0xd: {  	[smem:$0x3FB3] =	sst s5  }
0xe: {  	[smem:$0x3FB4] =	sst s6  }
0xf: {  	[smem:$0x3FB5] =	sst s7  }
0x10: {  	[smem:$0x3FB6] =	sst s8  }
0x11: {  	[smem:$0x3FB7] =	sst s9;
	s0 =	simm.s32 @!p0 $0x0  }
0x12: {  	s1 =	sld [smem:$0x3F9D];
	s0 =	simm.s32 @p0 $0x1  }
0x13: {  	[smem:$0x3FB8] =	sst s0;
	s0 =	simm.s32 @!p1 $0x0  }
0x14: {  	s2 =	sld [smem:$0x3F9C];
	s0 =	simm.s32 @p1 $0x1  }
0x15: {  	[smem:$0x3FB9] =	sst s0;
	s0 =	simm.s32 @!p2 $0x0  }
0x16: {  	s3 =	sld [smem:$0x3FDB];
	s0 =	simm.s32 @p2 $0x1  }
0x17: {  	s4 =	simm.s32 $0x1BF5;
	[smem:$0x3FBB] =	sst s0  }
0x18: {  	s0 =	sld [smem:$0x3F9E];
	_ =	swait.ge [sflag:s4], $0x0  }
0x19: {  	s7 =	sld [smem:$0x3F9F]  }
0x1a: {  	s8 =	sadd.s32 $0xFFFFE003, lr  }
0x1b: {  	s9 =	sadd.s32 $0xFFFFFEF7, lr;
	s5 =	simm.s32 $0xFFFFFFFF;
	p2 =	slt.u32 s8, $0xFFFFF086  }
0x1c: {  	p1 =	slt.u32 s9, $0xF7A;
	s5 =	simm.s32 @!p2 $0x0  }
0x1d: {  	s5 =	simm.s32 @p1 $0x1;
	p0 =	seq.s32 s7, s2  }
0x1e: {  	s7 =	smul.u32 @!p0 $0xF7A, s2;
	p2 =	seq.s32 @!p0 s5, $0x0  }
0x1f: {  	s9 =	smul.u32 $0xF7A, s1;
	s8 =	simm.s32 @!p0 $0x1BF5;
	p2 =	por !p2, p0  }
0x20: {  	[sflag:s8] =	ssyncset.s32 @!p0 $0xFFFFF086;
	s6 =	sadd.s32 @!p0 s3, s7;
	s7 =	simm.s32 @!p0 $0x108  }
0x21: {  	s3 =	sadd.s32 s3, s9;
	s6 =	sadd.s32 @!p0 $0x88, s6;
	s7 =	simm.s32 @p2 $0x1082  }
0x22: {  	[simem:s7], [sflag:s8] =	dma.local @!p0 [hbm:s6], $0xF7A  }
0x23: {  	s9 =	sor.u32 $0xD0000000, s2;
	s6 =	simm.s32 $0x108;
	_ =	swait.ge @!p0 [sflag:s8], $0x0  }
0x24: {  	s3 =	sadd.s32 $0x88, s3;
	s6 =	simm.s32 @!p1 $0x1082;
	[sflag:s4] =	ssyncset.s32 $0xFFFFF086  }
0x25: {  	[simem:s6], [sflag:s4] =	dma.local [hbm:s3], $0xF7A  }
0x26: {  	[smem:$0x3F9F] =	sst s1;
	(tag) =	ssettag s2;
	_ =	strace s9  }
0x27: {  	s1 =	sld [smem:$0x3FAF]  }
0x28: {  	s2 =	sld [smem:$0x3FB0]  }
0x29: {  	s4 =	sld [smem:$0x3FB2]  }
0x2a: {  	p0 =	seq.s32 s5, $0x0;
	s5 =	sld [smem:$0x3FB3]  }
0x2b: {  	s6 =	sld [smem:$0x3FB4]  }
0x2c: {  	s7 =	sld [smem:$0x3FB5]  }
0x2d: {  	s3 =	simm.s32 $0x108;
	s8 =	sld [smem:$0x3FB6]  }
0x2e: {  	s3 =	simm.s32 @!p0 $0x1082;
	s9 =	sld [smem:$0x3FB7]  }
0x2f: {  	lr =	sadd.s32 s0, s3;
	s0 =	sld [smem:$0x3FAE]  }
0x30: {  	s3 =	sld [smem:$0x3FB1]  }
0x31: {  	[smem:$0x3FBA] =	sst s10  }
0x32: {  	s10 =	sld [smem:$0x3FB8];
	_ =	sdelay $0x3  }
0x33: {  	p0 =	seq.s32 s10, $0x1;
	s10 =	sld [smem:$0x3FBA];
	_ =	sdelay $0x3  }
0x34: {  	[smem:$0x3FBA] =	sst s10  }
0x35: {  	s10 =	sld [smem:$0x3FB9];
	_ =	sdelay $0x3  }
0x36: {  	p1 =	seq.s32 s10, $0x1;
	s10 =	sld [smem:$0x3FBA];
	_ =	sdelay $0x3  }
0x37: {  	[smem:$0x3FBA] =	sst s10  }
0x38: {  	s10 =	sld [smem:$0x3FBB]  }
0x39: {  	_ = 	snop;
	(pc) =	sbr.ind lr, $3  }
0x3a: {  	_ = 	snop  }
0x3b: {  	_ = 	snop  }
0x3c: {  	p2 =	seq.s32 s10, $0x1;
	s10 =	sld [smem:$0x3FBA]  }
0x3d: {  	_ =	shalt  }
0x3e: {  	_ =	shalt  }
0x3f: {  	_ =	shalt  }
0x40: {  	_ =	shalt  }
0x41: {  	_ =	shalt  }
0x42: {  	_ =	shalt  }
0x43: {  	_ =	shalt  }
0x44: {  	_ =	shalt  }
0x45: {  	_ =	shalt  }
0x46: {  	_ =	shalt  }
0x47: {  	_ =	shalt  }
0x48: {  	_ =	shalt  }
0x49: {  	_ =	shalt  }
0x4a: {  	_ =	shalt  }
0x4b: {  	_ =	shalt  }
0x4c: {  	_ =	shalt  }
0x4d: {  	_ =	shalt  }
0x4e: {  	_ =	shalt  }
0x4f: {  	_ =	shalt  }
0x50: {  	_ =	shalt  }
0x51: {  	_ =	shalt  }
0x52: {  	_ =	shalt  }
0x53: {  	_ =	shalt  }
0x54: {  	_ =	shalt  }
0x55: {  	_ =	shalt  }
0x56: {  	_ =	shalt  }
0x57: {  	_ =	shalt  }
0x58: {  	_ =	shalt  }
0x59: {  	_ =	shalt  }
0x5a: {  	_ =	shalt  }
0x5b: {  	_ =	shalt  }
0x5c: {  	_ =	shalt  }
0x5d: {  	_ =	shalt  }
0x5e: {  	_ =	shalt  }
0x5f: {  	_ =	shalt  }
0x60: {  	_ =	shalt  }
0x61: {  	_ =	shalt  }
0x62: {  	_ =	shalt  }
0x63: {  	_ =	shalt  }
0x64: {  	_ =	shalt  }
0x65: {  	_ =	shalt  }
0x66: {  	_ =	shalt  }
0x67: {  	_ =	shalt  }
0x68: {  	_ =	shalt  }
0x69: {  	_ =	shalt  }
0x6a: {  	_ =	shalt  }
0x6b: {  	_ =	shalt  }
0x6c: {  	_ =	shalt  }
0x6d: {  	_ =	shalt  }
0x6e: {  	_ =	shalt  }
0x6f: {  	_ =	shalt  }
0x70: {  	_ =	shalt  }
0x71: {  	_ =	shalt  }
0x72: {  	_ =	shalt  }
0x73: {  	_ =	shalt  }
0x74: {  	_ =	shalt  }
0x75: {  	_ =	shalt  }
0x76: {  	_ =	shalt  }
0x77: {  	_ =	shalt  }
0x78: {  	_ =	shalt  }
0x79: {  	_ =	shalt  }
0x7a: {  	_ =	shalt  }
0x7b: {  	_ =	shalt  }
0x7c: {  	_ =	shalt  }
0x7d: {  	_ =	shalt  }
0x7e: {  	_ =	shalt  }
0x7f: {  	_ =	shalt  }
0x80: {  	_ =	shalt  }
0x81: {  	_ =	shalt  }
0x82: {  	_ =	shalt  }
0x83: {  	_ =	shalt  }
0x84: {  	_ =	shalt  }
0x85: {  	_ =	shalt  }
0x86: {  	_ =	shalt  }
0x87: {  	_ =	shalt  }
.Lfunc_end0:
.L_simem_size_0:
called_computation.1_lowered:
.L_overlay_start_0:
0x88: {  	s2 =	sld [smem:$0x3FD9]  }
0x89: {  	s3 =	sld [smem:$0x3FFE];
	_ =	sdelay $0x1  }
0x8a: {  	s1 =	srdreg.scid  }
0x8b: {  	s0 =	sand.u32 $0x1, s1  }
0x8c: {  	s16 =	sshll.u32 s0, $0xA;
	s2 =	sadd.s32 s3, s2  }
0x8d: {  	s2 =	sadd.s32 s2, s16  }
0x8e: {  	[smem:$0x3FC6] =	sst s2  }
0x8f: {  	_ = 	snop  }
0x90: {  	(tm) =	ssettm $0x1  }
0x91: {  	s17 =	sld [smem:$0x3FFB];
	_ =	sdelay $0x3  }
0x92: {  	_ =	strace s17  }
0x93: {  	s2 =	sld [smem:$0x3FFC];
	_ =	sdelay $0x3  }
0x94: {  	_ =	strace s2  }
0x95: {  	s2 =	sld [smem:$0x3FFD];
	_ =	sdelay $0x3  }
0x96: {  	_ =	strace s2  }
0x97: {  	_ =	strace $0x8FFFFFFF  }
0x98: {  	s18 =	sld [smem:$0x3FDB];
	_ =	sdelay $0x1  }
0x99: {  	s19 =	simm.s32 $_scs_section_size  }
0x9a: {  	s4 =	simm.s32 $_size__tile_overlayer_lowered;
	s5 =	simm.s32 $_tile_overlayer_lowered  }
0x9b: {  	s22 =	simm.s32 $0x1BFF;
	s21 =	sshll.u32 s5, $0x1;
	s2 =	sadd.s32 s19, s18  }
0x9c: {  	s6 =	simm.s32 $0x0;
	s20 =	sshll.u32 s4, $0x1;
	s4 =	sadd.s32 s21, s2  }
0x9d: {  	[timem:s6], [sflag:s22] =	dma.local [hbm:s4], s20  }
0x9e: {  	_ =	swait.ge [sflag:s22], s20  }
0x9f: {  	s3 =	ssub.s32 $0x0, s20;
	[sflag:s22] =	ssyncset.done $0x0  }
0xa0: {  	[sflag:s22] =	ssyncadd.s32 s3;
	_ =	sdelay $0x1  }
0xa1: {  	s23 =	simm.s32 $0x1B8B  }
0xa2: {  	_ =	swait.ge [sflag:s23], $0x1  }
0xa3: {  	[sflag:s23] =	ssyncset.done $0x0  }
0xa4: {  	s25 =	simm.s32 $0x1B8E;
	s24 =	sld [smem:$0x3FFE];
	[sflag:s23] =	ssyncadd.s32 $0xFFFFFFFF  }
0xa5: {  	s26 =	simm.s32 $execute0_lowered;
	[smem:$0x3FD2] =	sst s25  }
0xa6: {  	s4 =	sshll.u32 s26, $0x1;
	_ =	strace $0x80000046;
	[dreg:$0x1] =	wrdreg $0xFFFFFFFF  }
0xa7: {  	s28 =	simm.s32 $_size_execute0_lowered;
	s2 =	sadd.s32 s2, s4;
	[dreg:$0x0] =	wrdreg $0x0  }
0xa8: {  	s4 =	sshll.u32 s28, $0x1;
	[dreg:$0x2] =	wrdreg s2  }
0xa9: {  	[dreg:$0x3] =	wrdreg s4  }
0xaa: {  	[dreg:$0x4] =	wrdreg $0xC0  }
0xab: {  	_ =	task [dreg:s6], $0x5FFFF  }
0xac: {  	[dreg:$0x1] =	wrdreg $0xFFFFFFFF  }
0xad: {  	[dreg:$0x0] =	wrdreg $0x60  }
0xae: {  	[dreg:$0x2] =	wrdreg s24  }
0xaf: {  	[dreg:$0x3] =	wrdreg $0x9  }
0xb0: {  	_ =	task.clear_ibuf [dreg:s6], $0x4FFFF;
	_ =	strace $0x90000046  }
0xb1: {  	s29 =	simm.s32 $0x9;
	_ =	strace $0x80000048  }
0xb2: {  	_ =	swait.ge [sflag:s29], $0x1  }
0xb3: {  	[sflag:s29] =	ssyncadd.s32 $0xFFFFFFFF  }
0xb4: {  	_ =	strace $0x90000048  }
0xb5: {  	_ =	sfence  }
0xb6: {  	s30 =	sld [smem:$0x0];
	_ =	sdelay $0x2  }
0xb7: {  	s31 =	sshll.u32 s1, $0xD;
	s1 =	sshrl.u32 s1, $0x2  }
0xb8: {  	s3 =	sand.u32 $0x4000, s31;
	s1 =	sadd.s32 s1, s30  }
0xb9: {  	s0 =	sor.u32 s3, s0;
	s1 =	sshll.u32 s1, $0x11  }
0xba: {  	s0 =	sor.u32 s1, s0  }
0xbb: {  	s0 =	sadd.s32 $0x8F2B, s0  }
0xbc: {  	[sflag:s0] =	ssyncadd.remote.s32 $0x1  }
0xbd: {  	_ =	sfence.sel $0xFFFF  }
0xbe: {  	[dreg:$0x0] =	wrdreg $0xFFFFFFFF;
	(pc) =	sbr.abs _section_cstart, $3  }
0xbf: {  	[dreg:$0x1] =	wrdreg $0xFFFFFFFF  }
0xc0: {  	_ =	task.clear_ibuf [dreg:s6], $0x2FFFF;
	_ =	strace $0x9FFFFFFF  }
0xc1: {  	(tm) =	ssettm $0x7FFFFFFF  }
tec
execute0_lowered:
.L_overlay_start_1:
0x0: {  	(tag) =	ssettag $0x1  }
0x1: {  	s0 =	rddreg [dreg:$0x0];
	s1 =	simm.s32 $0x0;
	s2 =	srdreg.scid  }
0x2: {  	s5 =	stileid.u32;
	s8 =	simm.s32 $0x32;
	s9 =	simm.s32 $0x4000  }
0x3: {  	s11 =	simm.s32 $0x5C00;
	s13 =	simm.s32 $0x7800;
	s15 =	simm.s32 $0x9400  }
0x4: {  	s17 =	simm.s32 $0xB000;
	s19 =	simm.s32 $0xCC00;
	s21 =	simm.s32 $0xE800  }
0x5: {  	s23 =	simm.s32 $0x10400;
	s25 =	simm.s32 $0x12000;
	s28 =	simm.s32 $0x13C00  }
0x6: {  	s30 =	simm.s32 $0x15800;
	s10 =	simm.s32 $0x19000;
	s14 =	simm.s32 $0x1AC00  }
0x7: {  	s18 =	simm.s32 $0x1C800;
	s22 =	simm.s32 $0x1E400;
	s24 =	simm.s32 $0x1  }
0x8: {  	s29 =	simm.s32 $0x0;
	[smem:$0x7FF] =	sst s1;
	s3 =	sadd.s32 $0x10800, s0  }
0x9: {  	s2 =	sand.u32 $0x1, s2;
	s4 =	sshll.u32 s5, $0xC;
	s5 =	smul.u32 $0x38000, s5  }
0xa: {  	s6 =	sshll.u32 s2, $0xB;
	s7 =	ssub.s32 $0x2, s2;
	s2 =	smul.u32 $0x1C000, s2  }
.Ltmp0:
0xb: {  	_ =	strace $0x80000047;
	s4 =	sor.u32 s6, s4;
	(pc) =	sbr.rel .LBB2_1-.Ltmp0, $4  }
0xc: {  	s5 =	sadd.s32 s5, s0;
	s26 =	sshrl.u32 s7, $0x1;
	s0 =	sadd.s32 s4, s0  }
0xd: {  	s6 =	ssub.s32 s7, s26;
	s2 =	sadd.s32 s2, s5;
	s7 =	simm.s32 $0x3  }
0xe: {  	s26 =	simm.s32 $0x2;
	s0 =	sadd.s32 $0x800, s0;
	s5 =	smax.u32 s6, $0x1  }
0xf: {  	s31 =	sadd.s32 $0x197200, s2;
	[dreg:$0x2] =	wrdreg s0;
	s0 =	simm.s32 $0x17400  }
.LBB2_4:
0x10: {  	s29 =	sadd.s32 $0x1, s29  }
0x11: {  	p0 =	sne.s32 s29, s5  }
.Ltmp1:
0x12: {  	_ = 	snop;
	(pc) =	sbr.rel @!p0 .LBB2_5-.Ltmp1, $1  }
0x13: {  	_ =	sdelay $0x3  }
.LBB2_1:
0x14: {  	s2 =	rddreg [dreg:$0x2]  }
0x15: {  	[tilespmem:s1], [sflag:$0x3] =	stream.linear.gather [hbm4b:s2+s1], $0x4000, $0x38;
	v63 =	vld [tilespmem:$0x0]  }
0x16: {  	_ =	swait.ge [sflag:s7], $0x4000  }
0x17: {  	[sflag:s7] =	ssyncset.done $0x0  }
0x18: {  	[sflag:s7] =	ssyncadd.s32 $0xFFFFC000  }
0x19: {  	[tilespmem:s9], [sflag:$0x1] =	stream.indirect.gather [hbm4b:s3+s8], $0x80, s1, s8, $0xb8;
	v63 =	vld [tilespmem:$0x0]  }
0x1a: {  	s4 =	simm.s32 $0x80  }
0x1b: {  	[tilespmem:s11], [sflag:$0x1] =	stream.indirect.gather [hbm4b:s3+s8], $0x80, s4, s8, $0xb8;
	v63 =	vld [tilespmem:$0x0]  }
0x1c: {  	s6 =	simm.s32 $0x100  }
0x1d: {  	[tilespmem:s13], [sflag:$0x1] =	stream.indirect.gather [hbm4b:s3+s8], $0x80, s6, s8, $0xb8;
	v63 =	vld [tilespmem:$0x0]  }
0x1e: {  	s12 =	simm.s32 $0x180  }
0x1f: {  	[tilespmem:s15], [sflag:$0x1] =	stream.indirect.gather [hbm4b:s3+s8], $0x80, s12, s8, $0xb8;
	v63 =	vld [tilespmem:$0x0]  }
0x20: {  	s16 =	simm.s32 $0x200  }
0x21: {  	[tilespmem:s17], [sflag:$0x1] =	stream.indirect.gather [hbm4b:s3+s8], $0x80, s16, s8, $0xb8;
	v63 =	vld [tilespmem:$0x0]  }
0x22: {  	s20 =	simm.s32 $0x280  }
0x23: {  	[tilespmem:s19], [sflag:$0x1] =	stream.indirect.gather [hbm4b:s3+s8], $0x80, s20, s8, $0xb8;
	v63 =	vld [tilespmem:$0x0]  }
0x24: {  	s4 =	simm.s32 $0x300  }
0x25: {  	[tilespmem:s21], [sflag:$0x1] =	stream.indirect.gather [hbm4b:s3+s8], $0x80, s4, s8, $0xb8;
	v63 =	vld [tilespmem:$0x0]  }
0x26: {  	s6 =	simm.s32 $0x380  }
0x27: {  	[tilespmem:s23], [sflag:$0x1] =	stream.indirect.gather [hbm4b:s3+s8], $0x80, s6, s8, $0xb8;
	v63 =	vld [tilespmem:$0x0]  }
0x28: {  	s12 =	simm.s32 $0x400  }
0x29: {  	[tilespmem:s25], [sflag:$0x2] =	stream.indirect.gather [hbm4b:s3+s8], $0x80, s12, s8, $0xb8;
	v63 =	vld [tilespmem:$0x0]  }
0x2a: {  	s16 =	simm.s32 $0x480  }
0x2b: {  	[tilespmem:s28], [sflag:$0x2] =	stream.indirect.gather [hbm4b:s3+s8], $0x80, s16, s8, $0xb8;
	v63 =	vld [tilespmem:$0x0]  }
0x2c: {  	s20 =	simm.s32 $0x500  }
0x2d: {  	[tilespmem:s30], [sflag:$0x2] =	stream.indirect.gather [hbm4b:s3+s8], $0x80, s20, s8, $0xb8;
	v63 =	vld [tilespmem:$0x0]  }
0x2e: {  	s4 =	simm.s32 $0x580  }
0x2f: {  	[tilespmem:s0], [sflag:$0x2] =	stream.indirect.gather [hbm4b:s3+s8], $0x80, s4, s8, $0xb8;
	v63 =	vld [tilespmem:$0x0]  }
0x30: {  	s6 =	simm.s32 $0x600  }
0x31: {  	[tilespmem:s10], [sflag:$0x2] =	stream.indirect.gather [hbm4b:s3+s8], $0x80, s6, s8, $0xb8;
	v63 =	vld [tilespmem:$0x0]  }
0x32: {  	s12 =	simm.s32 $0x680  }
0x33: {  	[tilespmem:s14], [sflag:$0x2] =	stream.indirect.gather [hbm4b:s3+s8], $0x80, s12, s8, $0xb8;
	v63 =	vld [tilespmem:$0x0]  }
0x34: {  	s16 =	simm.s32 $0x700  }
0x35: {  	[tilespmem:s18], [sflag:$0x2] =	stream.indirect.gather [hbm4b:s3+s8], $0x80, s16, s8, $0xb8;
	v63 =	vld [tilespmem:$0x0]  }
0x36: {  	s2 =	simm.s32 $0x0;
	s20 =	simm.s32 $0x780;
	s6 =	smov.u32 s31  }
0x37: {  	[tilespmem:s22], [sflag:$0x2] =	stream.indirect.gather [hbm4b:s3+s8], $0x80, s20, s8, $0xb8;
	v63 =	vld [tilespmem:$0x0]  }
.LBB2_2:
0x38: {  	_ =	swait.ge [sflag:s24], $0x1900  }
0x39: {  	[sflag:s24] =	ssyncset.done $0x0  }
0x3a: {  	[sflag:s24] =	ssyncadd.s32 $0xFFFFE700  }
0x3b: {  	_ =	swait.ge [sflag:s24], $0x1900  }
0x3c: {  	[sflag:s24] =	ssyncset.done $0x0  }
0x3d: {  	[sflag:s24] =	ssyncadd.s32 $0xFFFFE700  }
0x3e: {  	_ =	swait.ge [sflag:s24], $0x1900  }
0x3f: {  	[sflag:s24] =	ssyncset.done $0x0  }
0x40: {  	[sflag:s24] =	ssyncadd.s32 $0xFFFFE700  }
0x41: {  	_ =	swait.ge [sflag:s24], $0x1900  }
0x42: {  	[sflag:s24] =	ssyncset.done $0x0  }
0x43: {  	[sflag:s24] =	ssyncadd.s32 $0xFFFFE700  }
0x44: {  	_ =	swait.ge [sflag:s24], $0x1900  }
0x45: {  	[sflag:s24] =	ssyncset.done $0x0  }
0x46: {  	[sflag:s24] =	ssyncadd.s32 $0xFFFFE700  }
0x47: {  	_ =	swait.ge [sflag:s24], $0x1900  }
0x48: {  	[sflag:s24] =	ssyncset.done $0x0  }
0x49: {  	[sflag:s24] =	ssyncadd.s32 $0xFFFFE700  }
0x4a: {  	_ =	swait.ge [sflag:s24], $0x1900  }
0x4b: {  	[sflag:s24] =	ssyncset.done $0x0  }
0x4c: {  	[sflag:s24] =	ssyncadd.s32 $0xFFFFE700  }
0x4d: {  	_ =	swait.ge [sflag:s24], $0x1900  }
0x4e: {  	[sflag:s24] =	ssyncset.done $0x0  }
0x4f: {  	[sflag:s24] =	ssyncadd.s32 $0xFFFFE700  }
0x50: {  	[hbm4b:s6+s1] =	stream.linear.scatter [tilespmem:s9], [sflag:$0x3], $0x1900, $0x38;
	v63 =	vld [tilespmem:$0x0]  }
0x51: {  	s12 =	sadd.s32 $0x380, s6  }
0x52: {  	[hbm4b:s12+s1] =	stream.linear.scatter [tilespmem:s11], [sflag:$0x3], $0x1900, $0x38;
	v63 =	vld [tilespmem:$0x0]  }
0x53: {  	s16 =	sadd.s32 $0x700, s6  }
0x54: {  	[hbm4b:s16+s1] =	stream.linear.scatter [tilespmem:s13], [sflag:$0x3], $0x1900, $0x38;
	v63 =	vld [tilespmem:$0x0]  }
0x55: {  	s20 =	sadd.s32 $0xA80, s6  }
0x56: {  	[hbm4b:s20+s1] =	stream.linear.scatter [tilespmem:s15], [sflag:$0x3], $0x1900, $0x38;
	v63 =	vld [tilespmem:$0x0]  }
0x57: {  	s4 =	sadd.s32 $0xE00, s6  }
0x58: {  	[hbm4b:s4+s1] =	stream.linear.scatter [tilespmem:s17], [sflag:$0x3], $0x1900, $0x38;
	v63 =	vld [tilespmem:$0x0]  }
0x59: {  	s16 =	sadd.s32 $0x1180, s6  }
0x5a: {  	[hbm4b:s16+s1] =	stream.linear.scatter [tilespmem:s19], [sflag:$0x3], $0x1900, $0x38;
	v63 =	vld [tilespmem:$0x0]  }
0x5b: {  	s20 =	sadd.s32 $0x1500, s6  }
0x5c: {  	[hbm4b:s20+s1] =	stream.linear.scatter [tilespmem:s21], [sflag:$0x3], $0x1900, $0x38;
	v63 =	vld [tilespmem:$0x0]  }
0x5d: {  	p0 =	seq.s32 s2, $0xE000;
	s4 =	sadd.s32 $0x1880, s6  }
0x5e: {  	[hbm4b:s4+s1] =	stream.linear.scatter [tilespmem:s23], [sflag:$0x3], $0x1900, $0x38;
	v63 =	vld [tilespmem:$0x0]  }
0x5f: {  	s12 =	sshra.s32 @!p0 s2, $0x2;
	_ =	swait.ge [sflag:s7], $0xC800  }
0x60: {  	s16 =	sadd.s32 @!p0 $0x800, s12;
	[sflag:s7] =	ssyncset.done $0x0  }
0x61: {  	s20 =	simm.s32 @!p0 $0x32;
	s4 =	simm.s32 @!p0 $0x4000;
	[sflag:s7] =	ssyncadd.s32 $0xFFFF3800  }
0x62: {  	[tilespmem:s4], [sflag:$0x1] =	stream.indirect.gather @!p0 [hbm4b:s3+s20], $0x80, s16, s20, $0xb8;
	v63 =	vld [tilespmem:$0x0]  }
0x63: {  	s4 =	sadd.s32 @!p0 $0x880, s12;
	s16 =	simm.s32 @!p0 $0x5C00  }
0x64: {  	[tilespmem:s16], [sflag:$0x1] =	stream.indirect.gather @!p0 [hbm4b:s3+s20], $0x80, s4, s20, $0xb8;
	v63 =	vld [tilespmem:$0x0]  }
0x65: {  	s4 =	sadd.s32 @!p0 $0x900, s12;
	s16 =	simm.s32 @!p0 $0x7800  }
0x66: {  	[tilespmem:s16], [sflag:$0x1] =	stream.indirect.gather @!p0 [hbm4b:s3+s20], $0x80, s4, s20, $0xb8;
	v63 =	vld [tilespmem:$0x0]  }
0x67: {  	s4 =	sadd.s32 @!p0 $0x980, s12;
	s16 =	simm.s32 @!p0 $0x9400  }
0x68: {  	[tilespmem:s16], [sflag:$0x1] =	stream.indirect.gather @!p0 [hbm4b:s3+s20], $0x80, s4, s20, $0xb8;
	v63 =	vld [tilespmem:$0x0]  }
0x69: {  	s4 =	sadd.s32 @!p0 $0xA00, s12;
	s16 =	simm.s32 @!p0 $0xB000  }
0x6a: {  	[tilespmem:s16], [sflag:$0x1] =	stream.indirect.gather @!p0 [hbm4b:s3+s20], $0x80, s4, s20, $0xb8;
	v63 =	vld [tilespmem:$0x0]  }
0x6b: {  	s4 =	sadd.s32 @!p0 $0xA80, s12;
	s16 =	simm.s32 @!p0 $0xCC00  }
0x6c: {  	[tilespmem:s16], [sflag:$0x1] =	stream.indirect.gather @!p0 [hbm4b:s3+s20], $0x80, s4, s20, $0xb8;
	v63 =	vld [tilespmem:$0x0]  }
0x6d: {  	s4 =	sadd.s32 @!p0 $0xB00, s12;
	s16 =	simm.s32 @!p0 $0xE800  }
0x6e: {  	[tilespmem:s16], [sflag:$0x1] =	stream.indirect.gather @!p0 [hbm4b:s3+s20], $0x80, s4, s20, $0xb8;
	v63 =	vld [tilespmem:$0x0]  }
0x6f: {  	s4 =	sadd.s32 @!p0 $0xB80, s12;
	s12 =	simm.s32 @!p0 $0x10400  }
0x70: {  	[tilespmem:s12], [sflag:$0x1] =	stream.indirect.gather @!p0 [hbm4b:s3+s20], $0x80, s4, s20, $0xb8;
	v63 =	vld [tilespmem:$0x0]  }
0x71: {  	_ =	swait.ge [sflag:s26], $0x1900  }
0x72: {  	[sflag:s26] =	ssyncset.done $0x0  }
0x73: {  	[sflag:s26] =	ssyncadd.s32 $0xFFFFE700  }
0x74: {  	_ =	swait.ge [sflag:s26], $0x1900  }
0x75: {  	[sflag:s26] =	ssyncset.done $0x0  }
0x76: {  	[sflag:s26] =	ssyncadd.s32 $0xFFFFE700  }
0x77: {  	_ =	swait.ge [sflag:s26], $0x1900  }
0x78: {  	[sflag:s26] =	ssyncset.done $0x0  }
0x79: {  	[sflag:s26] =	ssyncadd.s32 $0xFFFFE700  }
0x7a: {  	_ =	swait.ge [sflag:s26], $0x1900  }
0x7b: {  	[sflag:s26] =	ssyncset.done $0x0  }
0x7c: {  	[sflag:s26] =	ssyncadd.s32 $0xFFFFE700  }
0x7d: {  	_ =	swait.ge [sflag:s26], $0x1900  }
0x7e: {  	[sflag:s26] =	ssyncset.done $0x0  }
0x7f: {  	[sflag:s26] =	ssyncadd.s32 $0xFFFFE700  }
0x80: {  	_ =	swait.ge [sflag:s26], $0x1900  }
0x81: {  	[sflag:s26] =	ssyncset.done $0x0  }
0x82: {  	[sflag:s26] =	ssyncadd.s32 $0xFFFFE700  }
0x83: {  	_ =	swait.ge [sflag:s26], $0x1900  }
0x84: {  	[sflag:s26] =	ssyncset.done $0x0  }
0x85: {  	[sflag:s26] =	ssyncadd.s32 $0xFFFFE700  }
0x86: {  	_ =	swait.ge [sflag:s26], $0x1900  }
0x87: {  	[sflag:s26] =	ssyncset.done $0x0  }
0x88: {  	s16 =	sadd.s32 $0x1C00, s6;
	[sflag:s26] =	ssyncadd.s32 $0xFFFFE700  }
0x89: {  	[hbm4b:s16+s1] =	stream.linear.scatter [tilespmem:s25], [sflag:$0x3], $0x1900, $0x38;
	v63 =	vld [tilespmem:$0x0]  }
0x8a: {  	s20 =	sadd.s32 $0x1F80, s6  }
0x8b: {  	[hbm4b:s20+s1] =	stream.linear.scatter [tilespmem:s28], [sflag:$0x3], $0x1900, $0x38;
	v63 =	vld [tilespmem:$0x0]  }
0x8c: {  	s12 =	sadd.s32 $0x2300, s6  }
0x8d: {  	[hbm4b:s12+s1] =	stream.linear.scatter [tilespmem:s30], [sflag:$0x3], $0x1900, $0x38;
	v63 =	vld [tilespmem:$0x0]  }
0x8e: {  	s16 =	sadd.s32 $0x2680, s6  }
0x8f: {  	[hbm4b:s16+s1] =	stream.linear.scatter [tilespmem:s0], [sflag:$0x3], $0x1900, $0x38;
	v63 =	vld [tilespmem:$0x0]  }
0x90: {  	s20 =	sadd.s32 $0x2A00, s6  }
0x91: {  	[hbm4b:s20+s1] =	stream.linear.scatter [tilespmem:s10], [sflag:$0x3], $0x1900, $0x38;
	v63 =	vld [tilespmem:$0x0]  }
0x92: {  	s12 =	sadd.s32 $0x2D80, s6  }
0x93: {  	[hbm4b:s12+s1] =	stream.linear.scatter [tilespmem:s14], [sflag:$0x3], $0x1900, $0x38;
	v63 =	vld [tilespmem:$0x0]  }
0x94: {  	s16 =	sadd.s32 $0x3100, s6  }
0x95: {  	[hbm4b:s16+s1] =	stream.linear.scatter [tilespmem:s18], [sflag:$0x3], $0x1900, $0x38;
	v63 =	vld [tilespmem:$0x0]  }
.Ltmp2:
0x96: {  	s20 =	sadd.s32 $0x3480, s6;
	(pc) =	sbr.rel @p0 .LBB2_4-.Ltmp2, $4  }
0x97: {  	[hbm4b:s20+s1] =	stream.linear.scatter [tilespmem:s22], [sflag:$0x3], $0x1900, $0x38;
	v63 =	vld [tilespmem:$0x0]  }
0x98: {  	_ =	swait.ge [sflag:s7], $0xC800  }
0x99: {  	[sflag:s7] =	ssyncset.done $0x0  }
0x9a: {  	[sflag:s7] =	ssyncadd.s32 $0xFFFF3800  }
0x9b: {  	s4 =	sshra.s32 s2, $0x2  }
0x9c: {  	s12 =	sadd.s32 $0xC00, s4  }
0x9d: {  	[tilespmem:s25], [sflag:$0x2] =	stream.indirect.gather [hbm4b:s3+s8], $0x80, s12, s8, $0xb8;
	v63 =	vld [tilespmem:$0x0]  }
0x9e: {  	s16 =	sadd.s32 $0xC80, s4  }
0x9f: {  	[tilespmem:s28], [sflag:$0x2] =	stream.indirect.gather [hbm4b:s3+s8], $0x80, s16, s8, $0xb8;
	v63 =	vld [tilespmem:$0x0]  }
0xa0: {  	s20 =	sadd.s32 $0xD00, s4  }
0xa1: {  	[tilespmem:s30], [sflag:$0x2] =	stream.indirect.gather [hbm4b:s3+s8], $0x80, s20, s8, $0xb8;
	v63 =	vld [tilespmem:$0x0]  }
0xa2: {  	s16 =	sadd.s32 $0xD80, s4  }
0xa3: {  	[tilespmem:s0], [sflag:$0x2] =	stream.indirect.gather [hbm4b:s3+s8], $0x80, s16, s8, $0xb8;
	v63 =	vld [tilespmem:$0x0]  }
0xa4: {  	s20 =	sadd.s32 $0xE00, s4  }
0xa5: {  	[tilespmem:s10], [sflag:$0x2] =	stream.indirect.gather [hbm4b:s3+s8], $0x80, s20, s8, $0xb8;
	v63 =	vld [tilespmem:$0x0]  }
0xa6: {  	s16 =	sadd.s32 $0xE80, s4  }
0xa7: {  	[tilespmem:s14], [sflag:$0x2] =	stream.indirect.gather [hbm4b:s3+s8], $0x80, s16, s8, $0xb8;
	v63 =	vld [tilespmem:$0x0]  }
.Ltmp3:
0xa8: {  	_ = 	snop;
	(pc) =	sbr.rel .LBB2_2-.Ltmp3, $4  }
0xa9: {  	s20 =	sadd.s32 $0xF00, s4  }
0xaa: {  	[tilespmem:s18], [sflag:$0x2] =	stream.indirect.gather [hbm4b:s3+s8], $0x80, s20, s8, $0xb8;
	v63 =	vld [tilespmem:$0x0]  }
0xab: {  	s2 =	sadd.s32 $0x2000, s2;
	s6 =	sadd.s32 $0x3800, s6;
	s4 =	sadd.s32 $0xF80, s4  }
0xac: {  	[tilespmem:s22], [sflag:$0x2] =	stream.indirect.gather [hbm4b:s3+s8], $0x80, s4, s8, $0xb8;
	v63 =	vld [tilespmem:$0x0]  }
.LBB2_5:
0xad: {  	_ =	sfence.sel $0x180000  }
0xae: {  	[bflag:$0x0] =	sbarrier.arrive $0xFFFF  }
0xaf: {  	_ =	strace $0x90000047  }
0xb0: {  	s0 =	stileid.u32;
	[bflag:$0x2] =	sbarrier.arrive $0xFFFF  }
0xb1: {  	p0 =	sne.s32 s0, $0x0;
	s0 =	rddreg [dreg:$0x1]  }
0xb2: {  	s0 =	sadd.s32 @!p0 $0x100000, s0  }
0xb3: {  	[sflag:s0] =	ssyncadd.tile.s32 @!p0 $0x1;
	_ =	shalt  }
.Lfunc_end2:
_tile_overlayer_lowered:
.L_overlay_start_2:
0xb4: {  	(tag) =	ssettag $0x2  }
0xb5: {  	s0 =	rddreg [dreg:$0x0];
	s2 =	stileid.u32  }
0xb6: {  	s1 =	rddreg [dreg:$0x1];
	p0 =	sne.s32 s2, $0x0  }
0xb7: {  	s3 =	rddreg [dreg:$0x2];
	[bflag:$0x3] =	sbarrier.arrive $0xFFFF;
	s2 =	simm.s32 @!p0 $0x1C03  }
0xb8: {  	[timem:s3], [sflag:s2] =	dma.local @!p0 [hbm:s0], s1  }
0xb9: {  	s0 =	simm.s32 @!p0 $0x3  }
0xba: {  	_ =	swait.ge @!p0 [sflag:s0], s1  }
0xbb: {  	s1 =	ssub.s32 @!p0 $0x0, s1;
	[sflag:s0] =	ssyncset.done @!p0 $0x0  }
0xbc: {  	[sflag:s0] =	ssyncadd.s32 @!p0 s1  }
0xbd: {  	[bflag:$0x3] =	sbarrier.arrive $0xFFFF  }
0xbe: {  	_ =	shalt  }

// kernel: sparse-core-data-format-call.cloned.1.call-start
scs
called_computation_lowered:
.L_overlay_start_0:
0x0: {  	s2 =	sld [smem:$0x3FD9]  }
0x1: {  	s3 =	sld [smem:$0x3FFE];
	_ =	sdelay $0x1  }
0x2: {  	s1 =	srdreg.scid  }
0x3: {  	s0 =	sand.u32 $0x1, s1  }
0x4: {  	s18 =	sshll.u32 s0, $0xA;
	s2 =	sadd.s32 s3, s2  }
0x5: {  	s2 =	sadd.s32 s2, s18  }
0x6: {  	[smem:$0x3FC6] =	sst s2  }
0x7: {  	_ = 	snop  }
0x8: {  	s2 =	sld [smem:$0x3FD0];
	(tm) =	ssettm $0x1  }
0x9: {  	s19 =	sld [smem:$0x3FFB];
	_ =	sdelay $0x3  }
0xa: {  	_ =	strace s19  }
0xb: {  	s3 =	sld [smem:$0x3FFC];
	_ =	sdelay $0x3  }
0xc: {  	_ =	strace s3  }
0xd: {  	s3 =	sld [smem:$0x3FFD];
	_ =	sdelay $0x3  }
0xe: {  	_ =	strace s3  }
0xf: {  	_ =	strace $0x8FFFFFFF  }
0x10: {  	s20 =	sld [smem:$0x3FDB];
	_ =	sdelay $0x1  }
0x11: {  	s4 =	simm.s32 $_scs_section_size  }
0x12: {  	s5 =	simm.s32 $_size__tile_overlayer_lowered;
	s6 =	simm.s32 $_tile_overlayer_lowered  }
0x13: {  	s23 =	simm.s32 $0x1BFF;
	s22 =	sshll.u32 s6, $0x1;
	s3 =	sadd.s32 s4, s20  }
0x14: {  	s7 =	simm.s32 $0x0;
	s21 =	sshll.u32 s5, $0x1;
	s5 =	sadd.s32 s22, s3  }
0x15: {  	[timem:s7], [sflag:s23] =	dma.local [hbm:s5], s21  }
0x16: {  	_ =	swait.ge [sflag:s23], s21  }
0x17: {  	s4 =	ssub.s32 $0x0, s21;
	[sflag:s23] =	ssyncset.done $0x0  }
0x18: {  	[sflag:s23] =	ssyncadd.s32 s4;
	_ =	sdelay $0x1  }
0x19: {  	s24 =	simm.s32 $0x1B8B  }
0x1a: {  	_ =	swait.ge [sflag:s24], $0x1  }
0x1b: {  	[sflag:s24] =	ssyncset.done $0x0  }
0x1c: {  	s26 =	simm.s32 $0x1B8E;
	s25 =	sld [smem:$0x3FFE];
	[sflag:s24] =	ssyncadd.s32 $0xFFFFFFFF  }
0x1d: {  	s27 =	simm.s32 $execute0_lowered;
	[smem:$0x3FD2] =	sst s26  }
0x1e: {  	s5 =	sshll.u32 s27, $0x1;
	_ =	strace $0x80000049;
	[dreg:$0x1] =	wrdreg $0xFFFFFFFF  }
0x1f: {  	s28 =	simm.s32 $_size_execute0_lowered;
	s3 =	sadd.s32 s3, s5;
	[dreg:$0x0] =	wrdreg $0x0  }
0x20: {  	s5 =	sshll.u32 s28, $0x1;
	[dreg:$0x2] =	wrdreg s3  }
0x21: {  	[dreg:$0x3] =	wrdreg s5  }
0x22: {  	[dreg:$0x4] =	wrdreg $0xC0  }
0x23: {  	_ =	task [dreg:s7], $0x5FFFF  }
0x24: {  	[dreg:$0x1] =	wrdreg $0xFFFFFFFF  }
0x25: {  	[dreg:$0x0] =	wrdreg $0x60  }
0x26: {  	[dreg:$0x2] =	wrdreg s25  }
0x27: {  	[dreg:$0x3] =	wrdreg s2  }
0x28: {  	[dreg:$0x4] =	wrdreg $0x9  }
0x29: {  	_ =	task.clear_ibuf [dreg:s7], $0x5FFFF;
	_ =	strace $0x90000049  }
0x2a: {  	s29 =	simm.s32 $0x9;
	_ =	strace $0x8000004B  }
0x2b: {  	_ =	swait.ge [sflag:s29], $0x1  }
0x2c: {  	[sflag:s29] =	ssyncadd.s32 $0xFFFFFFFF  }
0x2d: {  	_ =	strace $0x9000004B  }
0x2e: {  	_ =	sfence  }
0x2f: {  	s30 =	sld [smem:$0x0];
	_ =	sdelay $0x2  }
0x30: {  	s31 =	sshll.u32 s1, $0xD;
	s1 =	sshrl.u32 s1, $0x2  }
0x31: {  	s3 =	sand.u32 $0x4000, s31;
	s1 =	sadd.s32 s1, s30  }
0x32: {  	s0 =	sor.u32 s3, s0;
	s1 =	sshll.u32 s1, $0x11  }
0x33: {  	s0 =	sor.u32 s1, s0  }
0x34: {  	s0 =	sadd.s32 $0x8F2B, s0  }
0x35: {  	[sflag:s0] =	ssyncadd.remote.s32 $0x1  }
0x36: {  	_ =	sfence.sel $0xFFFF  }
0x37: {  	[dreg:$0x0] =	wrdreg $0xFFFFFFFF;
	(pc) =	sbr.abs _section_cstart, $3  }
0x38: {  	[dreg:$0x1] =	wrdreg $0xFFFFFFFF  }
0x39: {  	_ =	task.clear_ibuf [dreg:s7], $0x2FFFF;
	_ =	strace $0x9FFFFFFF  }
0x3a: {  	(tm) =	ssettm $0x7FFFFFFF  }
0x3b: {  	_ =	shalt  }
tec
execute0_lowered:
.L_overlay_start_1:
0x0: {  	(tag) =	ssettag $0x1  }
0x1: {  	s0 =	srdreg.scid  }
0x2: {  	s1 =	sshll.u32 s0, $0x4  }
0x3: {  	s0 =	stileid.u32;
	s1 =	sand.u32 $0x10, s1  }
0x4: {  	s1 =	sor.u32 s0, s1  }
0x5: {  	s6 =	rddreg [dreg:$0x0];
	s4 =	simm.s32 $0x1;
	s2 =	sshll.u32 s1, $0x7  }
0x6: {  	s7 =	simm.s32 $0x2;
	s12 =	simm.s32 $0x0;
	s1 =	ssub.s32 $0x1000, s2  }
0x7: {  	s8 =	simm.s32 $0x8000;
	s13 =	simm.s32 $0x0;
	s3 =	sand.u32 $0xF80, s1  }
0x8: {  	s9 =	simm.s32 $0x0;
	s5 =	sshrl.u32 s1, $0xC;
	p0 =	sne.s32 s3, $0x0  }
.Ltmp0:
0x9: {  	s1 =	rddreg [dreg:$0x2];
	s4 =	simm.s32 @!p0 $0x0;
	(pc) =	sbr.rel .LBB1_1-.Ltmp0, $4  }
0xa: {  	s11 =	simm.s32 $0x0;
	s3 =	rddreg [dreg:$0x1];
	s5 =	sadd.s32 s4, s5  }
0xb: {  	_ =	strace $0x8000004A;
	s4 =	simm.s32 $0x1;
	s5 =	smul.u32 $0x32, s5  }
0xc: {  	s6 =	sadd.s32 $0x197200, s6;
	s10 =	smov.u32 s2;
	[sflag:s4] =	ssyncpa.u1 $0x0  }
0xd: {  	p0 =	por $0x0, $0x0;
	[sflag:s7] =	ssyncpa.u1 $0x0;
	s7 =	sor.u32 $0x1, s5  }
.LBB1_4:
0xe: {  	s16 =	sshll.u32 s13, $0x3;
	s17 =	sand.u32 $0x78, s13  }
0xf: {  	s30 =	sand.u32 $0x7E00, s13;
	s12 =	sshll.u32 s12, $0xF;
	s16 =	sand.u32 $0xC00, s16  }
0x10: {  	[tilespmem:s15+$0x810 ss:$0x81] =	vst.msk $0xffff, v2;
	s31 =	sand.u32 $0x7, s13;
	s16 =	sor.u32 s17, s16;
	s17 =	sadd.s32 s3, s30  }
0x11: {  	[tilespmem:s15+$0x1020 ss:$0x81] =	vst.msk $0xffff, v0;
	s13 =	sshll.u32 s31, $0x12;
	s12 =	sadd.s32 s12, s17;
	s16 =	sshrl.u32 s16, $0x3  }
0x12: {  	[tilespmem:s15+$0x0 ss:$0x81] =	vst.msk $0xffff, v1;
	s13 =	sor.u32 $0x400, s13;
	s12 =	sadd.s32 s16, s12  }
0x13: {  	[hbm4b:s12+s13] =	stream.strided.scatter [tilespmem:s14], [sflag:$0x2], $0x2000, s8, s13, $0x20;
	[tilespmem:$0x8080] =	vst v63  }
.LBB1_5:
0x14: {  	s14 =	sadd.s32 $0x1, s9  }
0x15: {  	s12 =	sadd.s32 $0x1000, s10;
	s16 =	smov.u32 s10;
	p2 =	sgt.s32 s14, $0x31  }
0x16: {  	s16 =	smov.u32 @p2 s12  }
0x17: {  	s14 =	simm.s32 @p2 $0x0;
	p2 =	sgt.s32 s16, $0xFFF  }
0x18: {  	s16 =	smov.u32 @p2 s2;
	p2 =	sne.s32 s11, s7  }
.Ltmp1:
0x19: {  	p1 =	slt.u32 s11, $0x2;
	(pc) =	sbr.rel @!p2 .LBB1_6-.Ltmp1, $4  }
0x1a: {  	s15 =	simm.s32 @!p1 $0x2  }
0x1b: {  	s13 =	smov.u32 s10;
	p0 =	por !p0, !p0;
	_ =	swait.ge @!p1 [sflag:s15], $0x2000  }
0x1c: {  	s12 =	smov.u32 s9;
	[sflag:s15] =	ssyncset.done @!p1 $0x0;
	s9 =	smov.u32 s14  }
0x1d: {  	s11 =	sadd.s32 $0x1, s11;
	[sflag:s15] =	ssyncadd.s32 @!p1 $0xFFFFE000;
	s10 =	smov.u32 s16  }
.LBB1_1:
0x1e: {  	p1 =	sge.u32 s11, s5  }
0x1f: {  	s14 =	sand.u32 @!p1 $0x1FFFFFF, s9  }
0x20: {  	s15 =	smulhi.u32 @!p1 $0x4924925, s14;
	_ =	sdelay $0x1  }
0x21: {  	s15 =	smul.u32 @!p1 $0x38, s15  }
0x22: {  	s16 =	sxor.u32 @!p1 $0xFFFFFFFF, s11;
	s17 =	smul.u32 @!p1 $0x380, s10  }
0x23: {  	s31 =	sadd.s32 $0xFFFFFFFF, s11;
	s16 =	sshll.u32 @!p1 s16, $0xD;
	s14 =	ssub.s32 @!p1 s14, s15  }
0x24: {  	s15 =	sand.u32 @!p1 $0x2000, s16;
	s16 =	sadd.s32 @!p1 s6, s17;
	s14 =	sshll.u32 @!p1 s14, $0x4  }
0x25: {  	s17 =	simm.s32 @!p1 $0x1C00;
	s14 =	sadd.s32 @!p1 s14, s16;
	s16 =	simm.s32 @!p1 $0x40  }
0x26: {  	[tilespmem:s15], [sflag:$0x1] =	stream.strided.gather @!p1 [hbm4b:s14+s16], $0x2000, s17, s16, $0x38;
	[tilespmem:$0x8080] =	vst v63  }
0x27: {  	p1 =	sge.u32 s31, s5  }
.Ltmp2:
0x28: {  	_ = 	snop;
	(pc) =	sbr.rel @p1 .LBB1_5-.Ltmp2, $1  }
0x29: {  	_ =	sdelay $0x3  }
0x2a: {  	s14 =	simm.s32 $0x1  }
0x2b: {  	_ =	swait.ge [sflag:s4], $0x2000;
	s14 =	simm.s32 @!p0 $0x0  }
0x2c: {  	[sflag:s4] =	ssyncset.done $0x0;
	s15 =	sshll.u32 s14, $0xD  }
0x2d: {  	[sflag:s4] =	ssyncadd.s32 $0xFFFFE000;
	s18 =	sor.u32 $0x20, s15  }
0x2e: {  	s14 =	smul.u32 $0x8100, s14;
	v3 =	vld [tilespmem:s18+$0x10]  }
0x2f: {  	s30 =	sand.u32 $0x1, s11;
	v2 =	vld [tilespmem:s18+$0xFFFFFFF0]  }
0x30: {  	s15 =	smul.u32 $0x8100, s30;
	s14 =	sshrl.u32 s14, $0x2;
	v0 =	vld [tilespmem:s18+$0x0]  }
0x31: {  	v1 =	vld [tilespmem:s18+$0xFFFFFFE0];
	s16 =	sor.u32 $0x4000, s14  }
0x32: {  	s31 =	sshrl.u32 s15, $0x2;
	s15 =	sadd.s32 $0x0, s16  }
0x33: {  	s17 =	simm.s32 $0x4;
	s18 =	sadd.s32 $0x40, s18;
	s14 =	sor.u32 $0x4000, s31;
	[tilespmem:s15+$0x1830 ss:$0x81] =	vst.msk $0xffff, v3  }
.LBB1_3:
0x34: {  	v3 =	vld [tilespmem:s18+$0x10];
	p1 =	sne.s32 s17, $0x1FC;
	[tilespmem:s15+$0x810 ss:$0x81] =	vst.msk $0xffff, v2;
	s19 =	smov.u32 s17;
	s17 =	sadd.s32 $0x4, s17  }
.Ltmp3:
0x35: {  	v2 =	vld [tilespmem:s18+$0xFFFFFFF0];
	[tilespmem:s15+$0x1020 ss:$0x81] =	vst.msk $0xffff, v0;
	(pc) =	sbr.rel @p1 .LBB1_3-.Ltmp3, $4  }
0x36: {  	v0 =	vld [tilespmem:s18+$0x0];
	[tilespmem:s15+$0x0 ss:$0x81] =	vst.msk $0xffff, v1  }
0x37: {  	s15 =	sshra.s32 s19, $0x2;
	v1 =	vld [tilespmem:s18+$0xFFFFFFE0]  }
0x38: {  	s15 =	sadd.s32 s15, s16  }
0x39: {  	s18 =	sadd.s32 $0x40, s18;
	[tilespmem:s15+$0x1830 ss:$0x81] =	vst.msk $0xffff, v3  }
.Ltmp4:
0x3a: {  	_ = 	snop;
	(pc) =	sbr.rel .LBB1_4-.Ltmp4, $1  }
0x3b: {  	_ =	sdelay $0x3  }
.LBB1_6:
0x3c: {  	_ =	sfence.sel $0x180000  }
0x3d: {  	s2 =	simm.s32 $0x1;
	[bflag:$0x0] =	sbarrier.arrive $0xFFFF  }
0x3e: {  	s31 =	simm.s32 $0x2;
	[sflag:s2] =	ssyncpa.u1 $0x1  }
0x3f: {  	[sflag:s31] =	ssyncpa.u1 $0x1  }
0x40: {  	p0 =	sne.s32 s0, $0x0;
	_ =	strace $0x9000004A  }
0x41: {  	s0 =	sadd.s32 @!p0 $0x100000, s1;
	[bflag:$0x2] =	sbarrier.arrive $0xFFFF  }
0x42: {  	[sflag:s0] =	ssyncadd.tile.s32 @!p0 $0x1;
	_ =	shalt  }
.Lfunc_end1:
_tile_overlayer_lowered:
.L_overlay_start_2:
0x43: {  	(tag) =	ssettag $0x2  }
0x44: {  	s0 =	rddreg [dreg:$0x0];
	s2 =	stileid.u32  }
0x45: {  	s1 =	rddreg [dreg:$0x1];
	p0 =	sne.s32 s2, $0x0  }
0x46: {  	s3 =	rddreg [dreg:$0x2];
	[bflag:$0x3] =	sbarrier.arrive $0xFFFF;
	s2 =	simm.s32 @!p0 $0x1C01  }
0x47: {  	[timem:s3], [sflag:s2] =	dma.local @!p0 [hbm:s0], s1  }
0x48: {  	s0 =	simm.s32 @!p0 $0x1  }
0x49: {  	_ =	swait.ge @!p0 [sflag:s0], s1  }
0x4a: {  	s1 =	ssub.s32 @!p0 $0x0, s1;
	[sflag:s0] =	ssyncset.done @!p0 $0x0  }
0x4b: {  	[sflag:s0] =	ssyncadd.s32 @!p0 s1  }
0x4c: {  	[bflag:$0x3] =	sbarrier.arrive $0xFFFF  }
0x4d: {  	_ =	shalt  }

</sc_bundles>
